<compile_context>
chip_gen: v7x
topology: tpu7x:2x2x1
jax: 0.10.2.dev20260603
libtpu: 0.0.44.dev20260713+nightly
codegen_flags: <defaults>
</compile_context>

<pallas_src>
import functools

import jax
import jax.numpy as jnp
from jax import lax
from jax.experimental import pallas as pl
from jax.experimental.pallas import tpu as pltpu
from jax.experimental.pallas import tpu_sc as plsc

_D = 256

_OFFSETS_LOW = [0, 4, 12, 15, 18, 21, 30, 35, 38]

_mesh = plsc.VectorSubcoreMesh(core_axis_name="c", subcore_axis_name="s")


@functools.partial(
    pl.kernel,
    out_type=jax.ShapeDtypeStruct((_D,), jnp.float32),
    mesh=_mesh,
    scratch_types=[
        pltpu.VMEM((29,), jnp.int32),
        pltpu.VMEM((16,), jnp.int32),
        pltpu.VMEM((16,), jnp.int32),
        pltpu.VMEM((16,), jnp.int32),
        pltpu.VMEM((16,), jnp.int32),
        pltpu.VMEM((16,), jnp.int32),
        pltpu.VMEM((16, _D), jnp.float32),
        pltpu.VMEM((8, _D), jnp.float32),
        pltpu.VMEM((1, _D), jnp.float32),
        pltpu.VMEM((1, _D), jnp.float32),
        pltpu.VMEM((1, _D), jnp.float32),
        pltpu.VMEM((7, _D), jnp.float32),
        pltpu.VMEM((10, _D), jnp.float32),
        pltpu.VMEM((9, _D), jnp.float32),
        pltpu.VMEM((32,), jnp.float32),
        pltpu.SemaphoreType.DMA,
        pltpu.SemaphoreType.DMA,
    ],
    compiler_params=pltpu.CompilerParams(needs_layout_passes=False),
)
def _sc_encode(ent_hbm, w_sp, w_ab, w_it, w_mv, w_lv, w_hp, w_ft, w_oh,
               out_hbm, ent_v, oh_idx_v, mv_idx_v, sp_idx_v, ab_idx_v,
               it_idx_v, oh_rows, mv_rows, sp_row, ab_row, it_row, lv_rows,
               hp_rows, ft_rows, out_v, sem_ent, sem_rows):
    c = lax.axis_index("c")
    wid = lax.axis_index("s")

    @pl.when(jnp.logical_and(c == 0, wid < 8))
    def _():
        lane = lax.broadcasted_iota(jnp.int32, (16,), 0)

        def ent_at(off):
            idx = jnp.minimum(lane + off, 28)
            return plsc.load_gather(ent_v, [idx])

        cp_ent = pltpu.make_async_copy(ent_hbm, ent_v, sem_ent)
        cp_ent.start()
        g_lv = pltpu.make_async_copy(w_lv, lv_rows, sem_rows)
        g_lv.start()
        g_hp = pltpu.make_async_copy(w_hp, hp_rows, sem_rows)
        g_hp.start()
        g_ft = pltpu.make_async_copy(w_ft, ft_rows, sem_rows)
        g_ft.start()
        cp_ent.wait()

        ent0 = ent_at(0)
        ent_a = ent_at(3)
        ent_b = ent_at(5)
        m0 = ent_at(17)
        m1 = ent_at(21)

        offs = 41 + 13 * (lane - 9)
        for i in range(len(_OFFSETS_LOW) - 1, -1, -1):
            offs = jnp.where(lane == i, _OFFSETS_LOW[i], offs)
        oh_idx_v[...] = jnp.where(lane < 9, ent_a, ent_b + 6) + offs
        g_oh = pltpu.make_async_copy(w_oh.at[oh_idx_v], oh_rows, sem_rows)
        g_oh.start()

        mv_idx_v[...] = jnp.where(lane < 4, m1, m0 + 1024)
        g_mv = pltpu.make_async_copy(w_mv.at[mv_idx_v.at[pl.ds(0, 8)]],
                                     mv_rows, sem_rows)
        g_mv.start()

        sp_idx_v[...] = ent0
        g_sp = pltpu.make_async_copy(w_sp.at[sp_idx_v.at[pl.ds(0, 1)]],
                                     sp_row, sem_rows)
        g_sp.start()
        ab_idx_v[...] = ent_at(1)
        g_ab = pltpu.make_async_copy(w_ab.at[ab_idx_v.at[pl.ds(0, 1)]],
                                     ab_row, sem_rows)
        g_ab.start()
        it_idx_v[...] = ent_at(2)
        g_it = pltpu.make_async_copy(w_it.at[it_idx_v.at[pl.ds(0, 1)]],
                                     it_row, sem_rows)
        g_it.start()

        sp_tok = ent0[0]
        lvl = ent0[12]
        hp = ent0[13]
        maskf = jnp.where(
            jnp.logical_or(sp_tok == 0, sp_tok == 1),
            jnp.float32(0.0), jnp.float32(1.0))

        ppf = m1.astype(jnp.float32) / 1023.0
        ck_lv = (lax.shift_right_logical(
            jnp.broadcast_to(lvl, (16,)), lane) & 1).astype(jnp.float32)
        ck_hp = (lax.shift_right_logical(
            jnp.broadcast_to(hp, (16,)), lane) & 1).astype(jnp.float32)
        rescale = jnp.where(
            lane == 1, jnp.float32(1.0 / 100),
            jnp.where(lane == 2, jnp.float32(1.0 / 1023),
                      jnp.where(jnp.logical_and(lane >= 3, lane < 10),
                                jnp.float32(0.5), jnp.float32(0.0))))
        ck_ft = ent_at(11).astype(jnp.float32) * rescale

        g_lv.wait()
        g_hp.wait()
        g_ft.wait()
        accs = []
        for half in range(2):
            col = wid * 32 + half * 16
            acc = jnp.zeros((16,), jnp.float32)
            for r in range(7):
                acc = acc + ck_lv[r] * lv_rows[r, pl.ds(col, 16)]
            for r in range(10):
                acc = acc + ck_hp[r] * hp_rows[r, pl.ds(col, 16)]
            for r in range(9):
                acc = acc + ck_ft[r + 1] * ft_rows[r, pl.ds(col, 16)]
            accs.append(acc)

        g_oh.wait()
        g_mv.wait()
        g_sp.wait()
        g_ab.wait()
        g_it.wait()
        for half in range(2):
            col = wid * 32 + half * 16
            acc = accs[half]
            for r in range(16):
                acc = acc + oh_rows[r, pl.ds(col, 16)]
            for r in range(4):
                acc = acc + mv_rows[r, pl.ds(col, 16)]
            for r in range(4):
                acc = acc + ppf[4 + r] * mv_rows[4 + r, pl.ds(col, 16)]
            acc = acc + sp_row[0, pl.ds(col, 16)]
            acc = acc + ab_row[0, pl.ds(col, 16)]
            acc = acc + it_row[0, pl.ds(col, 16)]
            out_v[pl.ds(half * 16, 16)] = acc * maskf

        cp_out = pltpu.make_async_copy(out_v, out_hbm.at[pl.ds(wid * 32, 32)],
                                       sem_ent)
        cp_out.start()
        cp_out.wait()


def kernel(entity, W_species, b_species, W_ability, b_ability, W_item,
           b_item, W_moves, b_moves, W_level, b_level, W_hp, b_hp, W_feat,
           b_feat, W_onehot, b_onehot):
    entity = entity.astype(jnp.int32)
    emb = _sc_encode(entity, W_species, W_ability, W_item, W_moves, W_level,
                     W_hp, W_feat, W_onehot)
    sp = entity[0]
    mask = jnp.logical_not(jnp.logical_or(sp == 0, sp == 1))
    return emb, mask

# --- scband reference (transcript-rebuilt; emitter-appended) ---
"""Pipeline reference for scband-entity-encoder-5231270166729 (READ-ONLY COPY).

The authoritative reference and input builder live on the scoring server;
editing this copy changes nothing except your own understanding.
"""

import jax, jax.numpy as jnp
import numpy as np

NUM_SPECIES = 1024
NUM_ABILITIES = 320
NUM_ITEMS = 512
NUM_MOVES = 1024
ENTITY_SIZE = 256
E_SPECIES = 0; E_ABILITY = 1; E_ITEM = 2; E_GENDER = 3; E_STATUS = 4; E_BCB = 5; E_TRAPPED = 6; E_NEWSW = 7; E_TOXIC = 8; E_SLEEP = 9; E_FAINTED = 10; E_ACTIVE = 11; E_LEVEL = 12; E_HP = 13; E_BOOST0 = 14; E_MOVEID0 = 21; E_MOVEPP0 = 25; E_HAS_STATUS = 29
ONEHOT_SIZES = [4, 8, 3, 3, 3, 9, 5, 3, 3] + [13] * 7
ONEHOT_TOTAL = int(np.sum(ONEHOT_SIZES))
DENSE_DIMS = [("species", NUM_SPECIES), ("ability", NUM_ABILITIES), ("item", NUM_ITEMS), ("moves", 2 * NUM_MOVES), ("level", 7), ("hp", 10), ("feat", 9), ("onehot", ONEHOT_TOTAL)]


def _binary_scale(x, world_dim):
    num_bits = (world_dim - 1).bit_length()
    bit_mask = jnp.asarray(1 << np.arange(num_bits), jnp.int32)
    pos = jnp.broadcast_to(x[jnp.newaxis], (num_bits,))
    return (jnp.bitwise_and(pos, bit_mask) != 0).astype(jnp.float32)


def _forward(entity, *params):
    entity = entity.astype(jnp.int32)
    Ws = params[0::2]
    bs = params[1::2]
    species_oh = jax.nn.one_hot(entity[E_SPECIES], NUM_SPECIES)
    ability_oh = jax.nn.one_hot(entity[E_ABILITY], NUM_ABILITIES)
    item_oh = jax.nn.one_hot(entity[E_ITEM], NUM_ITEMS)
    move_ids = jax.lax.slice(entity, (E_MOVEID0,), (E_MOVEPP0,))
    move_oh = jax.nn.one_hot(move_ids, NUM_MOVES)
    pp = jax.lax.slice(entity, (E_MOVEPP0,), (E_HAS_STATUS,))
    pp_b = jnp.expand_dims(pp / 1023, axis=-1) * move_oh
    moveset = jnp.concatenate((move_oh, pp_b), axis=-1).sum(0)
    level_bin = _binary_scale(entity[E_LEVEL], 100)
    hp_bin = _binary_scale(entity[E_HP], 1023)
    rescales = jnp.asarray([1.0 / 100, 1.0 / 1023] + [0.5] * 7, jnp.float32)
    feat = (entity[E_LEVEL:E_BOOST0 + 7] * rescales).astype(jnp.float32)
    onehot_vals = jnp.stack([entity[E_GENDER], entity[E_STATUS], entity[E_BCB], entity[E_TRAPPED], entity[E_NEWSW], entity[E_TOXIC], entity[E_SLEEP], entity[E_FAINTED], entity[E_ACTIVE]] + [entity[E_BOOST0 + i] + 6 for i in range(7)])
    offsets = jnp.asarray(np.cumsum([0] + ONEHOT_SIZES[:-1]), jnp.int32)
    indices = onehot_vals + offsets
    boolean_code = jnp.matmul(jnp.ones((indices.shape[0],), jnp.float32), (indices[:, jnp.newaxis] == jnp.arange(ONEHOT_TOTAL)).astype(jnp.float32))
    embeddings = [species_oh, ability_oh, item_oh, moveset, level_bin, hp_bin, feat, boolean_code]
    embedding = sum(x @ W + b for x, W, b in zip(embeddings, Ws, bs))
    species_token = entity[E_SPECIES]
    mask = ~jnp.logical_or(jnp.equal(species_token, 0), jnp.equal(species_token, 1))
    embedding = jnp.where(mask, embedding, 0)
    return embedding, mask


def setup_inputs(seed: int = 0):
    key = jax.random.key(seed)
    ks = jax.random.split(key, 20)

    def ri(i, shape, lo, hi):
        return jax.random.randint(ks[i], shape, lo, hi, dtype=jnp.int32)

    parts = [ri(0, (1,), 2, NUM_SPECIES), ri(1, (1,), 0, NUM_ABILITIES), ri(2, (1,), 0, NUM_ITEMS), ri(3, (1,), 0, 3), ri(4, (1,), 0, 7), ri(5, (1,), 0, 2), ri(6, (1,), 0, 2), ri(7, (1,), 0, 2), ri(8, (1,), 0, 8), ri(9, (1,), 0, 4), ri(10, (1,), 0, 2), ri(11, (1,), 0, 2), ri(12, (1,), 1, 101), ri(13, (1,), 0, 1024), ri(14, (7,), -6, 7), ri(15, (4,), 0, NUM_MOVES), ri(16, (4,), 0, 1024)]
    entity = jnp.concatenate(parts).astype(jnp.int32)
    inp = {"entity": entity}
    for j, (name, d_in) in enumerate(DENSE_DIMS):
        inp["W_" + name] = jax.random.normal(jax.random.fold_in(key, j), (d_in, ENTITY_SIZE), jnp.float32) * 0.02
        inp["b_" + name] = jnp.zeros((ENTITY_SIZE,), jnp.float32)
    return inp


def reference(entity, W_species, b_species, W_ability, b_ability, W_item, b_item, W_moves, b_moves, W_level, b_level, W_hp, b_hp, W_feat, b_feat, W_onehot, b_onehot):
    return _forward(entity, W_species, b_species, W_ability, b_ability, W_item, b_item, W_moves, b_moves, W_level, b_level, W_hp, b_hp, W_feat, b_feat, W_onehot, b_onehot)

if __name__ == "__main__":
    import jax
    _d = setup_inputs()
    print(jax.jit(kernel)(*tuple(_d.values())))

</pallas_src>

<mosaic_0001>
#map = affine_map<(d0, d1) -> (0)>
#map1 = affine_map<(d0, d1) -> (0, 0)>
module attributes {stable_mosaic.version = 14 : i64} {
  func.func @_sc_encode(%arg0: i32, %arg1: i32, %arg2: memref<29xi32, #tpu.memory_space<hbm>>, %arg3: memref<1024x256xf32, #tpu.memory_space<hbm>>, %arg4: memref<320x256xf32, #tpu.memory_space<hbm>>, %arg5: memref<512x256xf32, #tpu.memory_space<hbm>>, %arg6: memref<2048x256xf32, #tpu.memory_space<hbm>>, %arg7: memref<7x256xf32, #tpu.memory_space<hbm>>, %arg8: memref<10x256xf32, #tpu.memory_space<hbm>>, %arg9: memref<9x256xf32, #tpu.memory_space<hbm>>, %arg10: memref<132x256xf32, #tpu.memory_space<hbm>>, %arg11: memref<256xf32, #tpu.memory_space<hbm>>, %arg12: memref<29xi32, #tpu.memory_space<vmem>>, %arg13: memref<16xi32, #tpu.memory_space<vmem>>, %arg14: memref<16xi32, #tpu.memory_space<vmem>>, %arg15: memref<16xi32, #tpu.memory_space<vmem>>, %arg16: memref<16xi32, #tpu.memory_space<vmem>>, %arg17: memref<16xi32, #tpu.memory_space<vmem>>, %arg18: memref<16x256xf32, #tpu.memory_space<vmem>>, %arg19: memref<8x256xf32, #tpu.memory_space<vmem>>, %arg20: memref<1x256xf32, #tpu.memory_space<vmem>>, %arg21: memref<1x256xf32, #tpu.memory_space<vmem>>, %arg22: memref<1x256xf32, #tpu.memory_space<vmem>>, %arg23: memref<7x256xf32, #tpu.memory_space<vmem>>, %arg24: memref<10x256xf32, #tpu.memory_space<vmem>>, %arg25: memref<9x256xf32, #tpu.memory_space<vmem>>, %arg26: memref<32xf32, #tpu.memory_space<vmem>>, %arg27: memref<!tpu.dma_semaphore, #tpu.memory_space<semaphore_mem>>, %arg28: memref<!tpu.dma_semaphore, #tpu.memory_space<semaphore_mem>>) attributes {dimension_semantics = [#tpu.dimension_semantics<core_parallel>, #tpu.dimension_semantics<subcore_parallel>], iteration_bounds = array<i64: 2, 16>, scalar_prefetch = 0 : i64, scratch_operands = 17 : i64, tpu.core_type = #tpu.core_type<sc_vector_subcore>, window_params = [{transform_indices = #map}, {transform_indices = #map1}, {transform_indices = #map1}, {transform_indices = #map1}, {transform_indices = #map1}, {transform_indices = #map1}, {transform_indices = #map1}, {transform_indices = #map1}, {transform_indices = #map1}, {transform_indices = #map}]} {
    %eq3A = arith.constant 0 : i32
    %eq3A_0 = arith.cmpi eq, %arg0, %eq3A : i32
    %lt3A = arith.constant 8 : i32
    %lt3A_1 = arith.cmpi slt, %arg1, %lt3A : i32
    %and3A = arith.andi %eq3A_0, %lt3A_1 : i1
    %convert_element_type3A = arith.extui %and3A : i1 to i32
    %cond3A = arith.constant 0 : i32
    %cond3A_2 = arith.cmpi ne, %convert_element_type3A, %cond3A : i32
    scf.if %cond3A_2 {
      %iota3A = tpu.iota {dimensions = array<i32: 0>} : vector<16xi32>
      tpu.enqueue_dma source(%arg2 : memref<29xi32, #tpu.memory_space<hbm>>) target(%arg12 : memref<29xi32, #tpu.memory_space<vmem>>) target_semaphore(%arg27 : memref<!tpu.dma_semaphore, #tpu.memory_space<semaphore_mem>>)
      tpu.enqueue_dma source(%arg7 : memref<7x256xf32, #tpu.memory_space<hbm>>) target(%arg23 : memref<7x256xf32, #tpu.memory_space<vmem>>) target_semaphore(%arg28 : memref<!tpu.dma_semaphore, #tpu.memory_space<semaphore_mem>>)
      tpu.enqueue_dma source(%arg8 : memref<10x256xf32, #tpu.memory_space<hbm>>) target(%arg24 : memref<10x256xf32, #tpu.memory_space<vmem>>) target_semaphore(%arg28 : memref<!tpu.dma_semaphore, #tpu.memory_space<semaphore_mem>>)
      tpu.enqueue_dma source(%arg9 : memref<9x256xf32, #tpu.memory_space<hbm>>) target(%arg25 : memref<9x256xf32, #tpu.memory_space<vmem>>) target_semaphore(%arg28 : memref<!tpu.dma_semaphore, #tpu.memory_space<semaphore_mem>>)
      tpu.wait_dma2 semaphore(%arg27 : memref<!tpu.dma_semaphore, #tpu.memory_space<semaphore_mem>>) src(%arg2 : memref<29xi32, #tpu.memory_space<hbm>>) dst(%arg12 : memref<29xi32, #tpu.memory_space<vmem>>)
      %add3A = arith.constant 0 : i32
      %add3A_3 = vector.broadcast %add3A : i32 to vector<16xi32>
      %add3A_4 = arith.addi %iota3A, %add3A_3 : vector<16xi32>
      %min3A = arith.constant 28 : i32
      %min3A_5 = vector.broadcast %min3A : i32 to vector<16xi32>
      %min3A_6 = arith.minsi %add3A_4, %min3A_5 : vector<16xi32>
      %gather3A = tpu.vector_load_idx %arg12[%min3A_6] : memref<29xi32, #tpu.memory_space<vmem>>[vector<16xi32>], vector<16xi32>,
      %add3A_7 = arith.constant 3 : i32
      %add3A_8 = vector.broadcast %add3A_7 : i32 to vector<16xi32>
      %add3A_9 = arith.addi %iota3A, %add3A_8 : vector<16xi32>
      %min3A_10 = arith.constant 28 : i32
      %min3A_11 = vector.broadcast %min3A_10 : i32 to vector<16xi32>
      %min3A_12 = arith.minsi %add3A_9, %min3A_11 : vector<16xi32>
      %gather3A_13 = tpu.vector_load_idx %arg12[%min3A_12] : memref<29xi32, #tpu.memory_space<vmem>>[vector<16xi32>], vector<16xi32>,
      %add3A_14 = arith.constant 5 : i32
      %add3A_15 = vector.broadcast %add3A_14 : i32 to vector<16xi32>
      %add3A_16 = arith.addi %iota3A, %add3A_15 : vector<16xi32>
      %min3A_17 = arith.constant 28 : i32
      %min3A_18 = vector.broadcast %min3A_17 : i32 to vector<16xi32>
      %min3A_19 = arith.minsi %add3A_16, %min3A_18 : vector<16xi32>
      %gather3A_20 = tpu.vector_load_idx %arg12[%min3A_19] : memref<29xi32, #tpu.memory_space<vmem>>[vector<16xi32>], vector<16xi32>,
      %add3A_21 = arith.constant 17 : i32
      %add3A_22 = vector.broadcast %add3A_21 : i32 to vector<16xi32>
      %add3A_23 = arith.addi %iota3A, %add3A_22 : vector<16xi32>
      %min3A_24 = arith.constant 28 : i32
      %min3A_25 = vector.broadcast %min3A_24 : i32 to vector<16xi32>
      %min3A_26 = arith.minsi %add3A_23, %min3A_25 : vector<16xi32>
      %gather3A_27 = tpu.vector_load_idx %arg12[%min3A_26] : memref<29xi32, #tpu.memory_space<vmem>>[vector<16xi32>], vector<16xi32>,
      %add3A_28 = arith.constant 21 : i32
      %add3A_29 = vector.broadcast %add3A_28 : i32 to vector<16xi32>
      %add3A_30 = arith.addi %iota3A, %add3A_29 : vector<16xi32>
      %min3A_31 = arith.constant 28 : i32
      %min3A_32 = vector.broadcast %min3A_31 : i32 to vector<16xi32>
      %min3A_33 = arith.minsi %add3A_30, %min3A_32 : vector<16xi32>
      %gather3A_34 = tpu.vector_load_idx %arg12[%min3A_33] : memref<29xi32, #tpu.memory_space<vmem>>[vector<16xi32>], vector<16xi32>,
      %sub3A = arith.constant 9 : i32
      %sub3A_35 = vector.broadcast %sub3A : i32 to vector<16xi32>
      %sub3A_36 = arith.subi %iota3A, %sub3A_35 : vector<16xi32>
      %mul3A = arith.constant 13 : i32
      %mul3A_37 = vector.broadcast %mul3A : i32 to vector<16xi32>
      %mul3A_38 = arith.muli %mul3A_37, %sub3A_36 : vector<16xi32>
      %add3A_39 = arith.constant 41 : i32
      %add3A_40 = vector.broadcast %add3A_39 : i32 to vector<16xi32>
      %add3A_41 = arith.addi %add3A_40, %mul3A_38 : vector<16xi32>
      %eq3A_42 = arith.constant 8 : i32
      %eq3A_43 = vector.broadcast %eq3A_42 : i32 to vector<16xi32>
      %eq3A_44 = arith.cmpi eq, %iota3A, %eq3A_43 : vector<16xi32>
      %jit3A = arith.constant 38 : i32
      %broadcast_in_dim3A = vector.broadcast %jit3A : i32 to vector<16xi32>
      %select_n3A = arith.select %eq3A_44, %broadcast_in_dim3A, %add3A_41 : vector<16xi1>, vector<16xi32>
      %eq3A_45 = arith.constant 7 : i32
      %eq3A_46 = vector.broadcast %eq3A_45 : i32 to vector<16xi32>
      %eq3A_47 = arith.cmpi eq, %iota3A, %eq3A_46 : vector<16xi32>
      %jit3A_48 = arith.constant 35 : i32
      %broadcast_in_dim3A_49 = vector.broadcast %jit3A_48 : i32 to vector<16xi32>
      %select_n3A_50 = arith.select %eq3A_47, %broadcast_in_dim3A_49, %select_n3A : vector<16xi1>, vector<16xi32>
      %eq3A_51 = arith.constant 6 : i32
      %eq3A_52 = vector.broadcast %eq3A_51 : i32 to vector<16xi32>
      %eq3A_53 = arith.cmpi eq, %iota3A, %eq3A_52 : vector<16xi32>
      %jit3A_54 = arith.constant 30 : i32
      %broadcast_in_dim3A_55 = vector.broadcast %jit3A_54 : i32 to vector<16xi32>
      %select_n3A_56 = arith.select %eq3A_53, %broadcast_in_dim3A_55, %select_n3A_50 : vector<16xi1>, vector<16xi32>
      %eq3A_57 = arith.constant 5 : i32
      %eq3A_58 = vector.broadcast %eq3A_57 : i32 to vector<16xi32>
      %eq3A_59 = arith.cmpi eq, %iota3A, %eq3A_58 : vector<16xi32>
      %jit3A_60 = arith.constant 21 : i32
      %broadcast_in_dim3A_61 = vector.broadcast %jit3A_60 : i32 to vector<16xi32>
      %select_n3A_62 = arith.select %eq3A_59, %broadcast_in_dim3A_61, %select_n3A_56 : vector<16xi1>, vector<16xi32>
      %eq3A_63 = arith.constant 4 : i32
      %eq3A_64 = vector.broadcast %eq3A_63 : i32 to vector<16xi32>
      %eq3A_65 = arith.cmpi eq, %iota3A, %eq3A_64 : vector<16xi32>
      %jit3A_66 = arith.constant 18 : i32
      %broadcast_in_dim3A_67 = vector.broadcast %jit3A_66 : i32 to vector<16xi32>
      %select_n3A_68 = arith.select %eq3A_65, %broadcast_in_dim3A_67, %select_n3A_62 : vector<16xi1>, vector<16xi32>
      %eq3A_69 = arith.constant 3 : i32
      %eq3A_70 = vector.broadcast %eq3A_69 : i32 to vector<16xi32>
      %eq3A_71 = arith.cmpi eq, %iota3A, %eq3A_70 : vector<16xi32>
      %jit3A_72 = arith.constant 15 : i32
      %broadcast_in_dim3A_73 = vector.broadcast %jit3A_72 : i32 to vector<16xi32>
      %select_n3A_74 = arith.select %eq3A_71, %broadcast_in_dim3A_73, %select_n3A_68 : vector<16xi1>, vector<16xi32>
      %eq3A_75 = arith.constant 2 : i32
      %eq3A_76 = vector.broadcast %eq3A_75 : i32 to vector<16xi32>
      %eq3A_77 = arith.cmpi eq, %iota3A, %eq3A_76 : vector<16xi32>
      %jit3A_78 = arith.constant 12 : i32
      %broadcast_in_dim3A_79 = vector.broadcast %jit3A_78 : i32 to vector<16xi32>
      %select_n3A_80 = arith.select %eq3A_77, %broadcast_in_dim3A_79, %select_n3A_74 : vector<16xi1>, vector<16xi32>
      %eq3A_81 = arith.constant 1 : i32
      %eq3A_82 = vector.broadcast %eq3A_81 : i32 to vector<16xi32>
      %eq3A_83 = arith.cmpi eq, %iota3A, %eq3A_82 : vector<16xi32>
      %jit3A_84 = arith.constant 4 : i32
      %broadcast_in_dim3A_85 = vector.broadcast %jit3A_84 : i32 to vector<16xi32>
      %select_n3A_86 = arith.select %eq3A_83, %broadcast_in_dim3A_85, %select_n3A_80 : vector<16xi1>, vector<16xi32>
      %eq3A_87 = arith.constant 0 : i32
      %eq3A_88 = vector.broadcast %eq3A_87 : i32 to vector<16xi32>
      %eq3A_89 = arith.cmpi eq, %iota3A, %eq3A_88 : vector<16xi32>
      %jit3A_90 = arith.constant 0 : i32
      %broadcast_in_dim3A_91 = vector.broadcast %jit3A_90 : i32 to vector<16xi32>
      %select_n3A_92 = arith.select %eq3A_89, %broadcast_in_dim3A_91, %select_n3A_86 : vector<16xi1>, vector<16xi32>
      %lt3A_93 = arith.constant 9 : i32
      %lt3A_94 = vector.broadcast %lt3A_93 : i32 to vector<16xi32>
      %lt3A_95 = arith.cmpi slt, %iota3A, %lt3A_94 : vector<16xi32>
      %add3A_96 = arith.constant 6 : i32
      %add3A_97 = vector.broadcast %add3A_96 : i32 to vector<16xi32>
      %add3A_98 = arith.addi %gather3A_20, %add3A_97 : vector<16xi32>
      %select_n3A_99 = arith.select %lt3A_95, %gather3A_13, %add3A_98 : vector<16xi1>, vector<16xi32>
      %add3A_100 = arith.addi %select_n3A_99, %select_n3A_92 : vector<16xi32>
      %swap3A = arith.constant 0 : index
      %swap3A_101 = tpu.vector_load %arg13[%swap3A] {strides = array<i32>} : memref<16xi32, #tpu.memory_space<vmem>>, vector<16xi32>,
      tpu.vector_store %arg13[%swap3A], %add3A_100 {strides = array<i32>} : memref<16xi32, #tpu.memory_space<vmem>>, vector<16xi32>,
      %dma_start3A = arith.constant 0 : i32
      %dma_start3A_102 = arith.constant 0 : i32
      %dma_start3A_103 = tpu.memref_slice %arg10[%dma_start3A, %dma_start3A_102] : memref<132x256xf32, #tpu.memory_space<hbm>> -> memref<132x256xf32, #tpu.memory_space<hbm>>
      tpu.enqueue_indirect_dma source(%dma_start3A_103 : memref<132x256xf32, #tpu.memory_space<hbm>>) target(%arg18 : memref<16x256xf32, #tpu.memory_space<vmem>>) offsets(%arg13 : memref<16xi32, #tpu.memory_space<vmem>>) semaphore(%arg28 : memref<!tpu.dma_semaphore, #tpu.memory_space<semaphore_mem>>)
      %lt3A_104 = arith.constant 4 : i32
      %lt3A_105 = vector.broadcast %lt3A_104 : i32 to vector<16xi32>
      %lt3A_106 = arith.cmpi slt, %iota3A, %lt3A_105 : vector<16xi32>
      %add3A_107 = arith.constant 1024 : i32
      %add3A_108 = vector.broadcast %add3A_107 : i32 to vector<16xi32>
      %add3A_109 = arith.addi %gather3A_27, %add3A_108 : vector<16xi32>
      %select_n3A_110 = arith.select %lt3A_106, %gather3A_34, %add3A_109 : vector<16xi1>, vector<16xi32>
      %swap3A_111 = arith.constant 0 : index
      %swap3A_112 = tpu.vector_load %arg14[%swap3A_111] {strides = array<i32>} : memref<16xi32, #tpu.memory_space<vmem>>, vector<16xi32>,
      tpu.vector_store %arg14[%swap3A_111], %select_n3A_110 {strides = array<i32>} : memref<16xi32, #tpu.memory_space<vmem>>, vector<16xi32>,
      %dma_start3A_113 = arith.constant 0 : i32
      %dma_start3A_114 = tpu.memref_slice %arg14[%dma_start3A_113] : memref<16xi32, #tpu.memory_space<vmem>> -> memref<8xi32, #tpu.memory_space<vmem>>
      %dma_start3A_115 = arith.constant 0 : i32
      %dma_start3A_116 = arith.constant 0 : i32
      %dma_start3A_117 = tpu.memref_slice %arg6[%dma_start3A_115, %dma_start3A_116] : memref<2048x256xf32, #tpu.memory_space<hbm>> -> memref<2048x256xf32, #tpu.memory_space<hbm>>
      tpu.enqueue_indirect_dma source(%dma_start3A_117 : memref<2048x256xf32, #tpu.memory_space<hbm>>) target(%arg19 : memref<8x256xf32, #tpu.memory_space<vmem>>) offsets(%dma_start3A_114 : memref<8xi32, #tpu.memory_space<vmem>>) semaphore(%arg28 : memref<!tpu.dma_semaphore, #tpu.memory_space<semaphore_mem>>)
      %swap3A_118 = arith.constant 0 : index
      %swap3A_119 = tpu.vector_load %arg15[%swap3A_118] {strides = array<i32>} : memref<16xi32, #tpu.memory_space<vmem>>, vector<16xi32>,
      tpu.vector_store %arg15[%swap3A_118], %gather3A {strides = array<i32>} : memref<16xi32, #tpu.memory_space<vmem>>, vector<16xi32>,
      %dma_start3A_120 = arith.constant 0 : i32
      %dma_start3A_121 = tpu.memref_slice %arg15[%dma_start3A_120] : memref<16xi32, #tpu.memory_space<vmem>> -> memref<1xi32, #tpu.memory_space<vmem>>
      %dma_start3A_122 = arith.constant 0 : i32
      %dma_start3A_123 = arith.constant 0 : i32
      %dma_start3A_124 = tpu.memref_slice %arg3[%dma_start3A_122, %dma_start3A_123] : memref<1024x256xf32, #tpu.memory_space<hbm>> -> memref<1024x256xf32, #tpu.memory_space<hbm>>
      tpu.enqueue_indirect_dma source(%dma_start3A_124 : memref<1024x256xf32, #tpu.memory_space<hbm>>) target(%arg20 : memref<1x256xf32, #tpu.memory_space<vmem>>) offsets(%dma_start3A_121 : memref<1xi32, #tpu.memory_space<vmem>>) semaphore(%arg28 : memref<!tpu.dma_semaphore, #tpu.memory_space<semaphore_mem>>)
      %add3A_125 = arith.constant 1 : i32
      %add3A_126 = vector.broadcast %add3A_125 : i32 to vector<16xi32>
      %add3A_127 = arith.addi %iota3A, %add3A_126 : vector<16xi32>
      %min3A_128 = arith.constant 28 : i32
      %min3A_129 = vector.broadcast %min3A_128 : i32 to vector<16xi32>
      %min3A_130 = arith.minsi %add3A_127, %min3A_129 : vector<16xi32>
      %gather3A_131 = tpu.vector_load_idx %arg12[%min3A_130] : memref<29xi32, #tpu.memory_space<vmem>>[vector<16xi32>], vector<16xi32>,
      %swap3A_132 = arith.constant 0 : index
      %swap3A_133 = tpu.vector_load %arg16[%swap3A_132] {strides = array<i32>} : memref<16xi32, #tpu.memory_space<vmem>>, vector<16xi32>,
      tpu.vector_store %arg16[%swap3A_132], %gather3A_131 {strides = array<i32>} : memref<16xi32, #tpu.memory_space<vmem>>, vector<16xi32>,
      %dma_start3A_134 = arith.constant 0 : i32
      %dma_start3A_135 = tpu.memref_slice %arg16[%dma_start3A_134] : memref<16xi32, #tpu.memory_space<vmem>> -> memref<1xi32, #tpu.memory_space<vmem>>
      %dma_start3A_136 = arith.constant 0 : i32
      %dma_start3A_137 = arith.constant 0 : i32
      %dma_start3A_138 = tpu.memref_slice %arg4[%dma_start3A_136, %dma_start3A_137] : memref<320x256xf32, #tpu.memory_space<hbm>> -> memref<320x256xf32, #tpu.memory_space<hbm>>
      tpu.enqueue_indirect_dma source(%dma_start3A_138 : memref<320x256xf32, #tpu.memory_space<hbm>>) target(%arg21 : memref<1x256xf32, #tpu.memory_space<vmem>>) offsets(%dma_start3A_135 : memref<1xi32, #tpu.memory_space<vmem>>) semaphore(%arg28 : memref<!tpu.dma_semaphore, #tpu.memory_space<semaphore_mem>>)
      %add3A_139 = arith.constant 2 : i32
      %add3A_140 = vector.broadcast %add3A_139 : i32 to vector<16xi32>
      %add3A_141 = arith.addi %iota3A, %add3A_140 : vector<16xi32>
      %min3A_142 = arith.constant 28 : i32
      %min3A_143 = vector.broadcast %min3A_142 : i32 to vector<16xi32>
      %min3A_144 = arith.minsi %add3A_141, %min3A_143 : vector<16xi32>
      %gather3A_145 = tpu.vector_load_idx %arg12[%min3A_144] : memref<29xi32, #tpu.memory_space<vmem>>[vector<16xi32>], vector<16xi32>,
      %swap3A_146 = arith.constant 0 : index
      %swap3A_147 = tpu.vector_load %arg17[%swap3A_146] {strides = array<i32>} : memref<16xi32, #tpu.memory_space<vmem>>, vector<16xi32>,
      tpu.vector_store %arg17[%swap3A_146], %gather3A_145 {strides = array<i32>} : memref<16xi32, #tpu.memory_space<vmem>>, vector<16xi32>,
      %dma_start3A_148 = arith.constant 0 : i32
      %dma_start3A_149 = tpu.memref_slice %arg17[%dma_start3A_148] : memref<16xi32, #tpu.memory_space<vmem>> -> memref<1xi32, #tpu.memory_space<vmem>>
      %dma_start3A_150 = arith.constant 0 : i32
      %dma_start3A_151 = arith.constant 0 : i32
      %dma_start3A_152 = tpu.memref_slice %arg5[%dma_start3A_150, %dma_start3A_151] : memref<512x256xf32, #tpu.memory_space<hbm>> -> memref<512x256xf32, #tpu.memory_space<hbm>>
      tpu.enqueue_indirect_dma source(%dma_start3A_152 : memref<512x256xf32, #tpu.memory_space<hbm>>) target(%arg22 : memref<1x256xf32, #tpu.memory_space<vmem>>) offsets(%dma_start3A_149 : memref<1xi32, #tpu.memory_space<vmem>>) semaphore(%arg28 : memref<!tpu.dma_semaphore, #tpu.memory_space<semaphore_mem>>)
      %slice3A = vector.extract_strided_slice %gather3A {offsets = [0], sizes = [1], strides = [1]} : vector<16xi32> to vector<1xi32>
      %squeeze3A = vector.extract %slice3A[0] : i32 from vector<1xi32>
      %slice3A_153 = vector.extract_strided_slice %gather3A {offsets = [12], sizes = [1], strides = [1]} : vector<16xi32> to vector<1xi32>
      %squeeze3A_154 = vector.extract %slice3A_153[0] : i32 from vector<1xi32>
      %slice3A_155 = vector.extract_strided_slice %gather3A {offsets = [13], sizes = [1], strides = [1]} : vector<16xi32> to vector<1xi32>
      %squeeze3A_156 = vector.extract %slice3A_155[0] : i32 from vector<1xi32>
      %eq3A_157 = arith.constant 0 : i32
      %eq3A_158 = arith.cmpi eq, %squeeze3A, %eq3A_157 : i32
      %eq3A_159 = arith.constant 1 : i32
      %eq3A_160 = arith.cmpi eq, %squeeze3A, %eq3A_159 : i32
      %or3A = arith.ori %eq3A_158, %eq3A_160 : i1
      %jit3A_161 = arith.constant 0.000000e+00 : f32
      %jit3A_162 = arith.constant 1.000000e+00 : f32
      %select_n3A_163 = arith.select %or3A, %jit3A_161, %jit3A_162 : f32
      %convert_element_type3A_164 = arith.sitofp %gather3A_34 : vector<16xi32> to vector<16xf32>
      %div3A = arith.constant 1.023000e+03 : f32
      %div3A_165 = vector.broadcast %div3A : f32 to vector<16xf32>
      %div3A_166 = arith.divf %convert_element_type3A_164, %div3A_165 : vector<16xf32>
      %broadcast_in_dim3A_167 = vector.broadcast %squeeze3A_154 : i32 to vector<16xi32>
      %shift_right_logical3A = arith.shrui %broadcast_in_dim3A_167, %iota3A : vector<16xi32>
      %and3A_168 = arith.constant 1 : i32
      %and3A_169 = vector.broadcast %and3A_168 : i32 to vector<16xi32>
      %and3A_170 = arith.andi %shift_right_logical3A, %and3A_169 : vector<16xi32>
      %convert_element_type3A_171 = arith.sitofp %and3A_170 : vector<16xi32> to vector<16xf32>
      %broadcast_in_dim3A_172 = vector.broadcast %squeeze3A_156 : i32 to vector<16xi32>
      %shift_right_logical3A_173 = arith.shrui %broadcast_in_dim3A_172, %iota3A : vector<16xi32>
      %and3A_174 = arith.constant 1 : i32
      %and3A_175 = vector.broadcast %and3A_174 : i32 to vector<16xi32>
      %and3A_176 = arith.andi %shift_right_logical3A_173, %and3A_175 : vector<16xi32>
      %convert_element_type3A_177 = arith.sitofp %and3A_176 : vector<16xi32> to vector<16xf32>
      %eq3A_178 = arith.constant 1 : i32
      %eq3A_179 = vector.broadcast %eq3A_178 : i32 to vector<16xi32>
      %eq3A_180 = arith.cmpi eq, %iota3A, %eq3A_179 : vector<16xi32>
      %eq3A_181 = arith.constant 2 : i32
      %eq3A_182 = vector.broadcast %eq3A_181 : i32 to vector<16xi32>
      %eq3A_183 = arith.cmpi eq, %iota3A, %eq3A_182 : vector<16xi32>
      %ge3A = arith.constant 3 : i32
      %ge3A_184 = vector.broadcast %ge3A : i32 to vector<16xi32>
      %ge3A_185 = arith.cmpi sge, %iota3A, %ge3A_184 : vector<16xi32>
      %lt3A_186 = arith.constant 10 : i32
      %lt3A_187 = vector.broadcast %lt3A_186 : i32 to vector<16xi32>
      %lt3A_188 = arith.cmpi slt, %iota3A, %lt3A_187 : vector<16xi32>
      %and3A_189 = arith.andi %ge3A_185, %lt3A_188 : vector<16xi1>
      %jit3A_190 = arith.constant 5.000000e-01 : f32
      %jit3A_191 = arith.constant 0.000000e+00 : f32
      %broadcast_in_dim3A_192 = vector.broadcast %jit3A_190 : f32 to vector<16xf32>
      %broadcast_in_dim3A_193 = vector.broadcast %jit3A_191 : f32 to vector<16xf32>
      %select_n3A_194 = arith.select %and3A_189, %broadcast_in_dim3A_192, %broadcast_in_dim3A_193 : vector<16xi1>, vector<16xf32>
      %jit3A_195 = arith.constant 9.77517105E-4 : f32
      %broadcast_in_dim3A_196 = vector.broadcast %jit3A_195 : f32 to vector<16xf32>
      %select_n3A_197 = arith.select %eq3A_183, %broadcast_in_dim3A_196, %select_n3A_194 : vector<16xi1>, vector<16xf32>
      %jit3A_198 = arith.constant 0.00999999977 : f32
      %broadcast_in_dim3A_199 = vector.broadcast %jit3A_198 : f32 to vector<16xf32>
      %select_n3A_200 = arith.select %eq3A_180, %broadcast_in_dim3A_199, %select_n3A_197 : vector<16xi1>, vector<16xf32>
      %add3A_201 = arith.constant 11 : i32
      %add3A_202 = vector.broadcast %add3A_201 : i32 to vector<16xi32>
      %add3A_203 = arith.addi %iota3A, %add3A_202 : vector<16xi32>
      %min3A_204 = arith.constant 28 : i32
      %min3A_205 = vector.broadcast %min3A_204 : i32 to vector<16xi32>
      %min3A_206 = arith.minsi %add3A_203, %min3A_205 : vector<16xi32>
      %gather3A_207 = tpu.vector_load_idx %arg12[%min3A_206] : memref<29xi32, #tpu.memory_space<vmem>>[vector<16xi32>], vector<16xi32>,
      %convert_element_type3A_208 = arith.sitofp %gather3A_207 : vector<16xi32> to vector<16xf32>
      %mul3A_209 = arith.mulf %convert_element_type3A_208, %select_n3A_200 : vector<16xf32>
      tpu.wait_dma2 semaphore(%arg28 : memref<!tpu.dma_semaphore, #tpu.memory_space<semaphore_mem>>) src(%arg7 : memref<7x256xf32, #tpu.memory_space<hbm>>) dst(%arg23 : memref<7x256xf32, #tpu.memory_space<vmem>>)
      tpu.wait_dma2 semaphore(%arg28 : memref<!tpu.dma_semaphore, #tpu.memory_space<semaphore_mem>>) src(%arg8 : memref<10x256xf32, #tpu.memory_space<hbm>>) dst(%arg24 : memref<10x256xf32, #tpu.memory_space<vmem>>)
      tpu.wait_dma2 semaphore(%arg28 : memref<!tpu.dma_semaphore, #tpu.memory_space<semaphore_mem>>) src(%arg9 : memref<9x256xf32, #tpu.memory_space<hbm>>) dst(%arg25 : memref<9x256xf32, #tpu.memory_space<vmem>>)
      %mul3A_210 = arith.constant 32 : i32
      %mul3A_211 = arith.muli %arg1, %mul3A_210 : i32
      %add3A_212 = arith.constant 0 : i32
      %add3A_213 = arith.addi %mul3A_211, %add3A_212 : i32
      %broadcast_in_dim3A_214 = arith.constant 0.000000e+00 : f32
      %broadcast_in_dim3A_215 = vector.broadcast %broadcast_in_dim3A_214 : f32 to vector<16xf32>
      %slice3A_216 = vector.extract_strided_slice %convert_element_type3A_171 {offsets = [0], sizes = [1], strides = [1]} : vector<16xf32> to vector<1xf32>
      %squeeze3A_217 = vector.extract %slice3A_216[0] : f32 from vector<1xf32>
      %get3A = arith.constant 0 : i32
      %get3A_218 = arith.index_cast %get3A : i32 to index
      %get3A_219 = arith.index_cast %add3A_213 : i32 to index
      %get3A_220 = tpu.vector_load %arg23[%get3A_218, %get3A_219] {strides = array<i32>} : memref<7x256xf32, #tpu.memory_space<vmem>>, vector<16xf32>,
      %mul3A_221 = vector.broadcast %squeeze3A_217 : f32 to vector<16xf32>
      %mul3A_222 = arith.mulf %mul3A_221, %get3A_220 : vector<16xf32>
      %add3A_223 = arith.addf %broadcast_in_dim3A_215, %mul3A_222 : vector<16xf32>
      %slice3A_224 = vector.extract_strided_slice %convert_element_type3A_171 {offsets = [1], sizes = [1], strides = [1]} : vector<16xf32> to vector<1xf32>
      %squeeze3A_225 = vector.extract %slice3A_224[0] : f32 from vector<1xf32>
      %get3A_226 = arith.constant 1 : i32
      %get3A_227 = arith.index_cast %get3A_226 : i32 to index
      %get3A_228 = arith.index_cast %add3A_213 : i32 to index
      %get3A_229 = tpu.vector_load %arg23[%get3A_227, %get3A_228] {strides = array<i32>} : memref<7x256xf32, #tpu.memory_space<vmem>>, vector<16xf32>,
      %mul3A_230 = vector.broadcast %squeeze3A_225 : f32 to vector<16xf32>
      %mul3A_231 = arith.mulf %mul3A_230, %get3A_229 : vector<16xf32>
      %add3A_232 = arith.addf %add3A_223, %mul3A_231 : vector<16xf32>
      %slice3A_233 = vector.extract_strided_slice %convert_element_type3A_171 {offsets = [2], sizes = [1], strides = [1]} : vector<16xf32> to vector<1xf32>
      %squeeze3A_234 = vector.extract %slice3A_233[0] : f32 from vector<1xf32>
      %get3A_235 = arith.constant 2 : i32
      %get3A_236 = arith.index_cast %get3A_235 : i32 to index
      %get3A_237 = arith.index_cast %add3A_213 : i32 to index
      %get3A_238 = tpu.vector_load %arg23[%get3A_236, %get3A_237] {strides = array<i32>} : memref<7x256xf32, #tpu.memory_space<vmem>>, vector<16xf32>,
      %mul3A_239 = vector.broadcast %squeeze3A_234 : f32 to vector<16xf32>
      %mul3A_240 = arith.mulf %mul3A_239, %get3A_238 : vector<16xf32>
      %add3A_241 = arith.addf %add3A_232, %mul3A_240 : vector<16xf32>
      %slice3A_242 = vector.extract_strided_slice %convert_element_type3A_171 {offsets = [3], sizes = [1], strides = [1]} : vector<16xf32> to vector<1xf32>
      %squeeze3A_243 = vector.extract %slice3A_242[0] : f32 from vector<1xf32>
      %get3A_244 = arith.constant 3 : i32
      %get3A_245 = arith.index_cast %get3A_244 : i32 to index
      %get3A_246 = arith.index_cast %add3A_213 : i32 to index
      %get3A_247 = tpu.vector_load %arg23[%get3A_245, %get3A_246] {strides = array<i32>} : memref<7x256xf32, #tpu.memory_space<vmem>>, vector<16xf32>,
      %mul3A_248 = vector.broadcast %squeeze3A_243 : f32 to vector<16xf32>
      %mul3A_249 = arith.mulf %mul3A_248, %get3A_247 : vector<16xf32>
      %add3A_250 = arith.addf %add3A_241, %mul3A_249 : vector<16xf32>
      %slice3A_251 = vector.extract_strided_slice %convert_element_type3A_171 {offsets = [4], sizes = [1], strides = [1]} : vector<16xf32> to vector<1xf32>
      %squeeze3A_252 = vector.extract %slice3A_251[0] : f32 from vector<1xf32>
      %get3A_253 = arith.constant 4 : i32
      %get3A_254 = arith.index_cast %get3A_253 : i32 to index
      %get3A_255 = arith.index_cast %add3A_213 : i32 to index
      %get3A_256 = tpu.vector_load %arg23[%get3A_254, %get3A_255] {strides = array<i32>} : memref<7x256xf32, #tpu.memory_space<vmem>>, vector<16xf32>,
      %mul3A_257 = vector.broadcast %squeeze3A_252 : f32 to vector<16xf32>
      %mul3A_258 = arith.mulf %mul3A_257, %get3A_256 : vector<16xf32>
      %add3A_259 = arith.addf %add3A_250, %mul3A_258 : vector<16xf32>
      %slice3A_260 = vector.extract_strided_slice %convert_element_type3A_171 {offsets = [5], sizes = [1], strides = [1]} : vector<16xf32> to vector<1xf32>
      %squeeze3A_261 = vector.extract %slice3A_260[0] : f32 from vector<1xf32>
      %get3A_262 = arith.constant 5 : i32
      %get3A_263 = arith.index_cast %get3A_262 : i32 to index
      %get3A_264 = arith.index_cast %add3A_213 : i32 to index
      %get3A_265 = tpu.vector_load %arg23[%get3A_263, %get3A_264] {strides = array<i32>} : memref<7x256xf32, #tpu.memory_space<vmem>>, vector<16xf32>,
      %mul3A_266 = vector.broadcast %squeeze3A_261 : f32 to vector<16xf32>
      %mul3A_267 = arith.mulf %mul3A_266, %get3A_265 : vector<16xf32>
      %add3A_268 = arith.addf %add3A_259, %mul3A_267 : vector<16xf32>
      %slice3A_269 = vector.extract_strided_slice %convert_element_type3A_171 {offsets = [6], sizes = [1], strides = [1]} : vector<16xf32> to vector<1xf32>
      %squeeze3A_270 = vector.extract %slice3A_269[0] : f32 from vector<1xf32>
      %get3A_271 = arith.constant 6 : i32
      %get3A_272 = arith.index_cast %get3A_271 : i32 to index
      %get3A_273 = arith.index_cast %add3A_213 : i32 to index
      %get3A_274 = tpu.vector_load %arg23[%get3A_272, %get3A_273] {strides = array<i32>} : memref<7x256xf32, #tpu.memory_space<vmem>>, vector<16xf32>,
      %mul3A_275 = vector.broadcast %squeeze3A_270 : f32 to vector<16xf32>
      %mul3A_276 = arith.mulf %mul3A_275, %get3A_274 : vector<16xf32>
      %add3A_277 = arith.addf %add3A_268, %mul3A_276 : vector<16xf32>
      %slice3A_278 = vector.extract_strided_slice %convert_element_type3A_177 {offsets = [0], sizes = [1], strides = [1]} : vector<16xf32> to vector<1xf32>
      %squeeze3A_279 = vector.extract %slice3A_278[0] : f32 from vector<1xf32>
      %get3A_280 = arith.constant 0 : i32
      %get3A_281 = arith.index_cast %get3A_280 : i32 to index
      %get3A_282 = arith.index_cast %add3A_213 : i32 to index
      %get3A_283 = tpu.vector_load %arg24[%get3A_281, %get3A_282] {strides = array<i32>} : memref<10x256xf32, #tpu.memory_space<vmem>>, vector<16xf32>,
      %mul3A_284 = vector.broadcast %squeeze3A_279 : f32 to vector<16xf32>
      %mul3A_285 = arith.mulf %mul3A_284, %get3A_283 : vector<16xf32>
      %add3A_286 = arith.addf %add3A_277, %mul3A_285 : vector<16xf32>
      %slice3A_287 = vector.extract_strided_slice %convert_element_type3A_177 {offsets = [1], sizes = [1], strides = [1]} : vector<16xf32> to vector<1xf32>
      %squeeze3A_288 = vector.extract %slice3A_287[0] : f32 from vector<1xf32>
      %get3A_289 = arith.constant 1 : i32
      %get3A_290 = arith.index_cast %get3A_289 : i32 to index
      %get3A_291 = arith.index_cast %add3A_213 : i32 to index
      %get3A_292 = tpu.vector_load %arg24[%get3A_290, %get3A_291] {strides = array<i32>} : memref<10x256xf32, #tpu.memory_space<vmem>>, vector<16xf32>,
      %mul3A_293 = vector.broadcast %squeeze3A_288 : f32 to vector<16xf32>
      %mul3A_294 = arith.mulf %mul3A_293, %get3A_292 : vector<16xf32>
      %add3A_295 = arith.addf %add3A_286, %mul3A_294 : vector<16xf32>
      %slice3A_296 = vector.extract_strided_slice %convert_element_type3A_177 {offsets = [2], sizes = [1], strides = [1]} : vector<16xf32> to vector<1xf32>
      %squeeze3A_297 = vector.extract %slice3A_296[0] : f32 from vector<1xf32>
      %get3A_298 = arith.constant 2 : i32
      %get3A_299 = arith.index_cast %get3A_298 : i32 to index
      %get3A_300 = arith.index_cast %add3A_213 : i32 to index
      %get3A_301 = tpu.vector_load %arg24[%get3A_299, %get3A_300] {strides = array<i32>} : memref<10x256xf32, #tpu.memory_space<vmem>>, vector<16xf32>,
      %mul3A_302 = vector.broadcast %squeeze3A_297 : f32 to vector<16xf32>
      %mul3A_303 = arith.mulf %mul3A_302, %get3A_301 : vector<16xf32>
      %add3A_304 = arith.addf %add3A_295, %mul3A_303 : vector<16xf32>
      %slice3A_305 = vector.extract_strided_slice %convert_element_type3A_177 {offsets = [3], sizes = [1], strides = [1]} : vector<16xf32> to vector<1xf32>
      %squeeze3A_306 = vector.extract %slice3A_305[0] : f32 from vector<1xf32>
      %get3A_307 = arith.constant 3 : i32
      %get3A_308 = arith.index_cast %get3A_307 : i32 to index
      %get3A_309 = arith.index_cast %add3A_213 : i32 to index
      %get3A_310 = tpu.vector_load %arg24[%get3A_308, %get3A_309] {strides = array<i32>} : memref<10x256xf32, #tpu.memory_space<vmem>>, vector<16xf32>,
      %mul3A_311 = vector.broadcast %squeeze3A_306 : f32 to vector<16xf32>
      %mul3A_312 = arith.mulf %mul3A_311, %get3A_310 : vector<16xf32>
      %add3A_313 = arith.addf %add3A_304, %mul3A_312 : vector<16xf32>
      %slice3A_314 = vector.extract_strided_slice %convert_element_type3A_177 {offsets = [4], sizes = [1], strides = [1]} : vector<16xf32> to vector<1xf32>
      %squeeze3A_315 = vector.extract %slice3A_314[0] : f32 from vector<1xf32>
      %get3A_316 = arith.constant 4 : i32
      %get3A_317 = arith.index_cast %get3A_316 : i32 to index
      %get3A_318 = arith.index_cast %add3A_213 : i32 to index
      %get3A_319 = tpu.vector_load %arg24[%get3A_317, %get3A_318] {strides = array<i32>} : memref<10x256xf32, #tpu.memory_space<vmem>>, vector<16xf32>,
      %mul3A_320 = vector.broadcast %squeeze3A_315 : f32 to vector<16xf32>
      %mul3A_321 = arith.mulf %mul3A_320, %get3A_319 : vector<16xf32>
      %add3A_322 = arith.addf %add3A_313, %mul3A_321 : vector<16xf32>
      %slice3A_323 = vector.extract_strided_slice %convert_element_type3A_177 {offsets = [5], sizes = [1], strides = [1]} : vector<16xf32> to vector<1xf32>
      %squeeze3A_324 = vector.extract %slice3A_323[0] : f32 from vector<1xf32>
      %get3A_325 = arith.constant 5 : i32
      %get3A_326 = arith.index_cast %get3A_325 : i32 to index
      %get3A_327 = arith.index_cast %add3A_213 : i32 to index
      %get3A_328 = tpu.vector_load %arg24[%get3A_326, %get3A_327] {strides = array<i32>} : memref<10x256xf32, #tpu.memory_space<vmem>>, vector<16xf32>,
      %mul3A_329 = vector.broadcast %squeeze3A_324 : f32 to vector<16xf32>
      %mul3A_330 = arith.mulf %mul3A_329, %get3A_328 : vector<16xf32>
      %add3A_331 = arith.addf %add3A_322, %mul3A_330 : vector<16xf32>
      %slice3A_332 = vector.extract_strided_slice %convert_element_type3A_177 {offsets = [6], sizes = [1], strides = [1]} : vector<16xf32> to vector<1xf32>
      %squeeze3A_333 = vector.extract %slice3A_332[0] : f32 from vector<1xf32>
      %get3A_334 = arith.constant 6 : i32
      %get3A_335 = arith.index_cast %get3A_334 : i32 to index
      %get3A_336 = arith.index_cast %add3A_213 : i32 to index
      %get3A_337 = tpu.vector_load %arg24[%get3A_335, %get3A_336] {strides = array<i32>} : memref<10x256xf32, #tpu.memory_space<vmem>>, vector<16xf32>,
      %mul3A_338 = vector.broadcast %squeeze3A_333 : f32 to vector<16xf32>
      %mul3A_339 = arith.mulf %mul3A_338, %get3A_337 : vector<16xf32>
      %add3A_340 = arith.addf %add3A_331, %mul3A_339 : vector<16xf32>
      %slice3A_341 = vector.extract_strided_slice %convert_element_type3A_177 {offsets = [7], sizes = [1], strides = [1]} : vector<16xf32> to vector<1xf32>
      %squeeze3A_342 = vector.extract %slice3A_341[0] : f32 from vector<1xf32>
      %get3A_343 = arith.constant 7 : i32
      %get3A_344 = arith.index_cast %get3A_343 : i32 to index
      %get3A_345 = arith.index_cast %add3A_213 : i32 to index
      %get3A_346 = tpu.vector_load %arg24[%get3A_344, %get3A_345] {strides = array<i32>} : memref<10x256xf32, #tpu.memory_space<vmem>>, vector<16xf32>,
      %mul3A_347 = vector.broadcast %squeeze3A_342 : f32 to vector<16xf32>
      %mul3A_348 = arith.mulf %mul3A_347, %get3A_346 : vector<16xf32>
      %add3A_349 = arith.addf %add3A_340, %mul3A_348 : vector<16xf32>
      %slice3A_350 = vector.extract_strided_slice %convert_element_type3A_177 {offsets = [8], sizes = [1], strides = [1]} : vector<16xf32> to vector<1xf32>
      %squeeze3A_351 = vector.extract %slice3A_350[0] : f32 from vector<1xf32>
      %get3A_352 = arith.constant 8 : i32
      %get3A_353 = arith.index_cast %get3A_352 : i32 to index
      %get3A_354 = arith.index_cast %add3A_213 : i32 to index
      %get3A_355 = tpu.vector_load %arg24[%get3A_353, %get3A_354] {strides = array<i32>} : memref<10x256xf32, #tpu.memory_space<vmem>>, vector<16xf32>,
      %mul3A_356 = vector.broadcast %squeeze3A_351 : f32 to vector<16xf32>
      %mul3A_357 = arith.mulf %mul3A_356, %get3A_355 : vector<16xf32>
      %add3A_358 = arith.addf %add3A_349, %mul3A_357 : vector<16xf32>
      %slice3A_359 = vector.extract_strided_slice %convert_element_type3A_177 {offsets = [9], sizes = [1], strides = [1]} : vector<16xf32> to vector<1xf32>
      %squeeze3A_360 = vector.extract %slice3A_359[0] : f32 from vector<1xf32>
      %get3A_361 = arith.constant 9 : i32
      %get3A_362 = arith.index_cast %get3A_361 : i32 to index
      %get3A_363 = arith.index_cast %add3A_213 : i32 to index
      %get3A_364 = tpu.vector_load %arg24[%get3A_362, %get3A_363] {strides = array<i32>} : memref<10x256xf32, #tpu.memory_space<vmem>>, vector<16xf32>,
      %mul3A_365 = vector.broadcast %squeeze3A_360 : f32 to vector<16xf32>
      %mul3A_366 = arith.mulf %mul3A_365, %get3A_364 : vector<16xf32>
      %add3A_367 = arith.addf %add3A_358, %mul3A_366 : vector<16xf32>
      %slice3A_368 = vector.extract_strided_slice %mul3A_209 {offsets = [1], sizes = [1], strides = [1]} : vector<16xf32> to vector<1xf32>
      %squeeze3A_369 = vector.extract %slice3A_368[0] : f32 from vector<1xf32>
      %get3A_370 = arith.constant 0 : i32
      %get3A_371 = arith.index_cast %get3A_370 : i32 to index
      %get3A_372 = arith.index_cast %add3A_213 : i32 to index
      %get3A_373 = tpu.vector_load %arg25[%get3A_371, %get3A_372] {strides = array<i32>} : memref<9x256xf32, #tpu.memory_space<vmem>>, vector<16xf32>,
      %mul3A_374 = vector.broadcast %squeeze3A_369 : f32 to vector<16xf32>
      %mul3A_375 = arith.mulf %mul3A_374, %get3A_373 : vector<16xf32>
      %add3A_376 = arith.addf %add3A_367, %mul3A_375 : vector<16xf32>
      %slice3A_377 = vector.extract_strided_slice %mul3A_209 {offsets = [2], sizes = [1], strides = [1]} : vector<16xf32> to vector<1xf32>
      %squeeze3A_378 = vector.extract %slice3A_377[0] : f32 from vector<1xf32>
      %get3A_379 = arith.constant 1 : i32
      %get3A_380 = arith.index_cast %get3A_379 : i32 to index
      %get3A_381 = arith.index_cast %add3A_213 : i32 to index
      %get3A_382 = tpu.vector_load %arg25[%get3A_380, %get3A_381] {strides = array<i32>} : memref<9x256xf32, #tpu.memory_space<vmem>>, vector<16xf32>,
      %mul3A_383 = vector.broadcast %squeeze3A_378 : f32 to vector<16xf32>
      %mul3A_384 = arith.mulf %mul3A_383, %get3A_382 : vector<16xf32>
      %add3A_385 = arith.addf %add3A_376, %mul3A_384 : vector<16xf32>
      %slice3A_386 = vector.extract_strided_slice %mul3A_209 {offsets = [3], sizes = [1], strides = [1]} : vector<16xf32> to vector<1xf32>
      %squeeze3A_387 = vector.extract %slice3A_386[0] : f32 from vector<1xf32>
      %get3A_388 = arith.constant 2 : i32
      %get3A_389 = arith.index_cast %get3A_388 : i32 to index
      %get3A_390 = arith.index_cast %add3A_213 : i32 to index
      %get3A_391 = tpu.vector_load %arg25[%get3A_389, %get3A_390] {strides = array<i32>} : memref<9x256xf32, #tpu.memory_space<vmem>>, vector<16xf32>,
      %mul3A_392 = vector.broadcast %squeeze3A_387 : f32 to vector<16xf32>
      %mul3A_393 = arith.mulf %mul3A_392, %get3A_391 : vector<16xf32>
      %add3A_394 = arith.addf %add3A_385, %mul3A_393 : vector<16xf32>
      %slice3A_395 = vector.extract_strided_slice %mul3A_209 {offsets = [4], sizes = [1], strides = [1]} : vector<16xf32> to vector<1xf32>
      %squeeze3A_396 = vector.extract %slice3A_395[0] : f32 from vector<1xf32>
      %get3A_397 = arith.constant 3 : i32
      %get3A_398 = arith.index_cast %get3A_397 : i32 to index
      %get3A_399 = arith.index_cast %add3A_213 : i32 to index
      %get3A_400 = tpu.vector_load %arg25[%get3A_398, %get3A_399] {strides = array<i32>} : memref<9x256xf32, #tpu.memory_space<vmem>>, vector<16xf32>,
      %mul3A_401 = vector.broadcast %squeeze3A_396 : f32 to vector<16xf32>
      %mul3A_402 = arith.mulf %mul3A_401, %get3A_400 : vector<16xf32>
      %add3A_403 = arith.addf %add3A_394, %mul3A_402 : vector<16xf32>
      %slice3A_404 = vector.extract_strided_slice %mul3A_209 {offsets = [5], sizes = [1], strides = [1]} : vector<16xf32> to vector<1xf32>
      %squeeze3A_405 = vector.extract %slice3A_404[0] : f32 from vector<1xf32>
      %get3A_406 = arith.constant 4 : i32
      %get3A_407 = arith.index_cast %get3A_406 : i32 to index
      %get3A_408 = arith.index_cast %add3A_213 : i32 to index
      %get3A_409 = tpu.vector_load %arg25[%get3A_407, %get3A_408] {strides = array<i32>} : memref<9x256xf32, #tpu.memory_space<vmem>>, vector<16xf32>,
      %mul3A_410 = vector.broadcast %squeeze3A_405 : f32 to vector<16xf32>
      %mul3A_411 = arith.mulf %mul3A_410, %get3A_409 : vector<16xf32>
      %add3A_412 = arith.addf %add3A_403, %mul3A_411 : vector<16xf32>
      %slice3A_413 = vector.extract_strided_slice %mul3A_209 {offsets = [6], sizes = [1], strides = [1]} : vector<16xf32> to vector<1xf32>
      %squeeze3A_414 = vector.extract %slice3A_413[0] : f32 from vector<1xf32>
      %get3A_415 = arith.constant 5 : i32
      %get3A_416 = arith.index_cast %get3A_415 : i32 to index
      %get3A_417 = arith.index_cast %add3A_213 : i32 to index
      %get3A_418 = tpu.vector_load %arg25[%get3A_416, %get3A_417] {strides = array<i32>} : memref<9x256xf32, #tpu.memory_space<vmem>>, vector<16xf32>,
      %mul3A_419 = vector.broadcast %squeeze3A_414 : f32 to vector<16xf32>
      %mul3A_420 = arith.mulf %mul3A_419, %get3A_418 : vector<16xf32>
      %add3A_421 = arith.addf %add3A_412, %mul3A_420 : vector<16xf32>
      %slice3A_422 = vector.extract_strided_slice %mul3A_209 {offsets = [7], sizes = [1], strides = [1]} : vector<16xf32> to vector<1xf32>
      %squeeze3A_423 = vector.extract %slice3A_422[0] : f32 from vector<1xf32>
      %get3A_424 = arith.constant 6 : i32
      %get3A_425 = arith.index_cast %get3A_424 : i32 to index
      %get3A_426 = arith.index_cast %add3A_213 : i32 to index
      %get3A_427 = tpu.vector_load %arg25[%get3A_425, %get3A_426] {strides = array<i32>} : memref<9x256xf32, #tpu.memory_space<vmem>>, vector<16xf32>,
      %mul3A_428 = vector.broadcast %squeeze3A_423 : f32 to vector<16xf32>
      %mul3A_429 = arith.mulf %mul3A_428, %get3A_427 : vector<16xf32>
      %add3A_430 = arith.addf %add3A_421, %mul3A_429 : vector<16xf32>
      %slice3A_431 = vector.extract_strided_slice %mul3A_209 {offsets = [8], sizes = [1], strides = [1]} : vector<16xf32> to vector<1xf32>
      %squeeze3A_432 = vector.extract %slice3A_431[0] : f32 from vector<1xf32>
      %get3A_433 = arith.constant 7 : i32
      %get3A_434 = arith.index_cast %get3A_433 : i32 to index
      %get3A_435 = arith.index_cast %add3A_213 : i32 to index
      %get3A_436 = tpu.vector_load %arg25[%get3A_434, %get3A_435] {strides = array<i32>} : memref<9x256xf32, #tpu.memory_space<vmem>>, vector<16xf32>,
      %mul3A_437 = vector.broadcast %squeeze3A_432 : f32 to vector<16xf32>
      %mul3A_438 = arith.mulf %mul3A_437, %get3A_436 : vector<16xf32>
      %add3A_439 = arith.addf %add3A_430, %mul3A_438 : vector<16xf32>
      %slice3A_440 = vector.extract_strided_slice %mul3A_209 {offsets = [9], sizes = [1], strides = [1]} : vector<16xf32> to vector<1xf32>
      %squeeze3A_441 = vector.extract %slice3A_440[0] : f32 from vector<1xf32>
      %get3A_442 = arith.constant 8 : i32
      %get3A_443 = arith.index_cast %get3A_442 : i32 to index
      %get3A_444 = arith.index_cast %add3A_213 : i32 to index
      %get3A_445 = tpu.vector_load %arg25[%get3A_443, %get3A_444] {strides = array<i32>} : memref<9x256xf32, #tpu.memory_space<vmem>>, vector<16xf32>,
      %mul3A_446 = vector.broadcast %squeeze3A_441 : f32 to vector<16xf32>
      %mul3A_447 = arith.mulf %mul3A_446, %get3A_445 : vector<16xf32>
      %add3A_448 = arith.addf %add3A_439, %mul3A_447 : vector<16xf32>
      %mul3A_449 = arith.constant 32 : i32
      %mul3A_450 = arith.muli %arg1, %mul3A_449 : i32
      %add3A_451 = arith.constant 16 : i32
      %add3A_452 = arith.addi %mul3A_450, %add3A_451 : i32
      %broadcast_in_dim3A_453 = arith.constant 0.000000e+00 : f32
      %broadcast_in_dim3A_454 = vector.broadcast %broadcast_in_dim3A_453 : f32 to vector<16xf32>
      %slice3A_455 = vector.extract_strided_slice %convert_element_type3A_171 {offsets = [0], sizes = [1], strides = [1]} : vector<16xf32> to vector<1xf32>
      %squeeze3A_456 = vector.extract %slice3A_455[0] : f32 from vector<1xf32>
      %get3A_457 = arith.constant 0 : i32
      %get3A_458 = arith.index_cast %get3A_457 : i32 to index
      %get3A_459 = arith.index_cast %add3A_452 : i32 to index
      %get3A_460 = tpu.vector_load %arg23[%get3A_458, %get3A_459] {strides = array<i32>} : memref<7x256xf32, #tpu.memory_space<vmem>>, vector<16xf32>,
      %mul3A_461 = vector.broadcast %squeeze3A_456 : f32 to vector<16xf32>
      %mul3A_462 = arith.mulf %mul3A_461, %get3A_460 : vector<16xf32>
      %add3A_463 = arith.addf %broadcast_in_dim3A_454, %mul3A_462 : vector<16xf32>
      %slice3A_464 = vector.extract_strided_slice %convert_element_type3A_171 {offsets = [1], sizes = [1], strides = [1]} : vector<16xf32> to vector<1xf32>
      %squeeze3A_465 = vector.extract %slice3A_464[0] : f32 from vector<1xf32>
      %get3A_466 = arith.constant 1 : i32
      %get3A_467 = arith.index_cast %get3A_466 : i32 to index
      %get3A_468 = arith.index_cast %add3A_452 : i32 to index
      %get3A_469 = tpu.vector_load %arg23[%get3A_467, %get3A_468] {strides = array<i32>} : memref<7x256xf32, #tpu.memory_space<vmem>>, vector<16xf32>,
      %mul3A_470 = vector.broadcast %squeeze3A_465 : f32 to vector<16xf32>
      %mul3A_471 = arith.mulf %mul3A_470, %get3A_469 : vector<16xf32>
      %add3A_472 = arith.addf %add3A_463, %mul3A_471 : vector<16xf32>
      %slice3A_473 = vector.extract_strided_slice %convert_element_type3A_171 {offsets = [2], sizes = [1], strides = [1]} : vector<16xf32> to vector<1xf32>
      %squeeze3A_474 = vector.extract %slice3A_473[0] : f32 from vector<1xf32>
      %get3A_475 = arith.constant 2 : i32
      %get3A_476 = arith.index_cast %get3A_475 : i32 to index
      %get3A_477 = arith.index_cast %add3A_452 : i32 to index
      %get3A_478 = tpu.vector_load %arg23[%get3A_476, %get3A_477] {strides = array<i32>} : memref<7x256xf32, #tpu.memory_space<vmem>>, vector<16xf32>,
      %mul3A_479 = vector.broadcast %squeeze3A_474 : f32 to vector<16xf32>
      %mul3A_480 = arith.mulf %mul3A_479, %get3A_478 : vector<16xf32>
      %add3A_481 = arith.addf %add3A_472, %mul3A_480 : vector<16xf32>
      %slice3A_482 = vector.extract_strided_slice %convert_element_type3A_171 {offsets = [3], sizes = [1], strides = [1]} : vector<16xf32> to vector<1xf32>
      %squeeze3A_483 = vector.extract %slice3A_482[0] : f32 from vector<1xf32>
      %get3A_484 = arith.constant 3 : i32
      %get3A_485 = arith.index_cast %get3A_484 : i32 to index
      %get3A_486 = arith.index_cast %add3A_452 : i32 to index
      %get3A_487 = tpu.vector_load %arg23[%get3A_485, %get3A_486] {strides = array<i32>} : memref<7x256xf32, #tpu.memory_space<vmem>>, vector<16xf32>,
      %mul3A_488 = vector.broadcast %squeeze3A_483 : f32 to vector<16xf32>
      %mul3A_489 = arith.mulf %mul3A_488, %get3A_487 : vector<16xf32>
      %add3A_490 = arith.addf %add3A_481, %mul3A_489 : vector<16xf32>
      %slice3A_491 = vector.extract_strided_slice %convert_element_type3A_171 {offsets = [4], sizes = [1], strides = [1]} : vector<16xf32> to vector<1xf32>
      %squeeze3A_492 = vector.extract %slice3A_491[0] : f32 from vector<1xf32>
      %get3A_493 = arith.constant 4 : i32
      %get3A_494 = arith.index_cast %get3A_493 : i32 to index
      %get3A_495 = arith.index_cast %add3A_452 : i32 to index
      %get3A_496 = tpu.vector_load %arg23[%get3A_494, %get3A_495] {strides = array<i32>} : memref<7x256xf32, #tpu.memory_space<vmem>>, vector<16xf32>,
      %mul3A_497 = vector.broadcast %squeeze3A_492 : f32 to vector<16xf32>
      %mul3A_498 = arith.mulf %mul3A_497, %get3A_496 : vector<16xf32>
      %add3A_499 = arith.addf %add3A_490, %mul3A_498 : vector<16xf32>
      %slice3A_500 = vector.extract_strided_slice %convert_element_type3A_171 {offsets = [5], sizes = [1], strides = [1]} : vector<16xf32> to vector<1xf32>
      %squeeze3A_501 = vector.extract %slice3A_500[0] : f32 from vector<1xf32>
      %get3A_502 = arith.constant 5 : i32
      %get3A_503 = arith.index_cast %get3A_502 : i32 to index
      %get3A_504 = arith.index_cast %add3A_452 : i32 to index
      %get3A_505 = tpu.vector_load %arg23[%get3A_503, %get3A_504] {strides = array<i32>} : memref<7x256xf32, #tpu.memory_space<vmem>>, vector<16xf32>,
      %mul3A_506 = vector.broadcast %squeeze3A_501 : f32 to vector<16xf32>
      %mul3A_507 = arith.mulf %mul3A_506, %get3A_505 : vector<16xf32>
      %add3A_508 = arith.addf %add3A_499, %mul3A_507 : vector<16xf32>
      %slice3A_509 = vector.extract_strided_slice %convert_element_type3A_171 {offsets = [6], sizes = [1], strides = [1]} : vector<16xf32> to vector<1xf32>
      %squeeze3A_510 = vector.extract %slice3A_509[0] : f32 from vector<1xf32>
      %get3A_511 = arith.constant 6 : i32
      %get3A_512 = arith.index_cast %get3A_511 : i32 to index
      %get3A_513 = arith.index_cast %add3A_452 : i32 to index
      %get3A_514 = tpu.vector_load %arg23[%get3A_512, %get3A_513] {strides = array<i32>} : memref<7x256xf32, #tpu.memory_space<vmem>>, vector<16xf32>,
      %mul3A_515 = vector.broadcast %squeeze3A_510 : f32 to vector<16xf32>
      %mul3A_516 = arith.mulf %mul3A_515, %get3A_514 : vector<16xf32>
      %add3A_517 = arith.addf %add3A_508, %mul3A_516 : vector<16xf32>
      %slice3A_518 = vector.extract_strided_slice %convert_element_type3A_177 {offsets = [0], sizes = [1], strides = [1]} : vector<16xf32> to vector<1xf32>
      %squeeze3A_519 = vector.extract %slice3A_518[0] : f32 from vector<1xf32>
      %get3A_520 = arith.constant 0 : i32
      %get3A_521 = arith.index_cast %get3A_520 : i32 to index
      %get3A_522 = arith.index_cast %add3A_452 : i32 to index
      %get3A_523 = tpu.vector_load %arg24[%get3A_521, %get3A_522] {strides = array<i32>} : memref<10x256xf32, #tpu.memory_space<vmem>>, vector<16xf32>,
      %mul3A_524 = vector.broadcast %squeeze3A_519 : f32 to vector<16xf32>
      %mul3A_525 = arith.mulf %mul3A_524, %get3A_523 : vector<16xf32>
      %add3A_526 = arith.addf %add3A_517, %mul3A_525 : vector<16xf32>
      %slice3A_527 = vector.extract_strided_slice %convert_element_type3A_177 {offsets = [1], sizes = [1], strides = [1]} : vector<16xf32> to vector<1xf32>
      %squeeze3A_528 = vector.extract %slice3A_527[0] : f32 from vector<1xf32>
      %get3A_529 = arith.constant 1 : i32
      %get3A_530 = arith.index_cast %get3A_529 : i32 to index
      %get3A_531 = arith.index_cast %add3A_452 : i32 to index
      %get3A_532 = tpu.vector_load %arg24[%get3A_530, %get3A_531] {strides = array<i32>} : memref<10x256xf32, #tpu.memory_space<vmem>>, vector<16xf32>,
      %mul3A_533 = vector.broadcast %squeeze3A_528 : f32 to vector<16xf32>
      %mul3A_534 = arith.mulf %mul3A_533, %get3A_532 : vector<16xf32>
      %add3A_535 = arith.addf %add3A_526, %mul3A_534 : vector<16xf32>
      %slice3A_536 = vector.extract_strided_slice %convert_element_type3A_177 {offsets = [2], sizes = [1], strides = [1]} : vector<16xf32> to vector<1xf32>
      %squeeze3A_537 = vector.extract %slice3A_536[0] : f32 from vector<1xf32>
      %get3A_538 = arith.constant 2 : i32
      %get3A_539 = arith.index_cast %get3A_538 : i32 to index
      %get3A_540 = arith.index_cast %add3A_452 : i32 to index
      %get3A_541 = tpu.vector_load %arg24[%get3A_539, %get3A_540] {strides = array<i32>} : memref<10x256xf32, #tpu.memory_space<vmem>>, vector<16xf32>,
      %mul3A_542 = vector.broadcast %squeeze3A_537 : f32 to vector<16xf32>
      %mul3A_543 = arith.mulf %mul3A_542, %get3A_541 : vector<16xf32>
      %add3A_544 = arith.addf %add3A_535, %mul3A_543 : vector<16xf32>
      %slice3A_545 = vector.extract_strided_slice %convert_element_type3A_177 {offsets = [3], sizes = [1], strides = [1]} : vector<16xf32> to vector<1xf32>
      %squeeze3A_546 = vector.extract %slice3A_545[0] : f32 from vector<1xf32>
      %get3A_547 = arith.constant 3 : i32
      %get3A_548 = arith.index_cast %get3A_547 : i32 to index
      %get3A_549 = arith.index_cast %add3A_452 : i32 to index
      %get3A_550 = tpu.vector_load %arg24[%get3A_548, %get3A_549] {strides = array<i32>} : memref<10x256xf32, #tpu.memory_space<vmem>>, vector<16xf32>,
      %mul3A_551 = vector.broadcast %squeeze3A_546 : f32 to vector<16xf32>
      %mul3A_552 = arith.mulf %mul3A_551, %get3A_550 : vector<16xf32>
      %add3A_553 = arith.addf %add3A_544, %mul3A_552 : vector<16xf32>
      %slice3A_554 = vector.extract_strided_slice %convert_element_type3A_177 {offsets = [4], sizes = [1], strides = [1]} : vector<16xf32> to vector<1xf32>
      %squeeze3A_555 = vector.extract %slice3A_554[0] : f32 from vector<1xf32>
      %get3A_556 = arith.constant 4 : i32
      %get3A_557 = arith.index_cast %get3A_556 : i32 to index
      %get3A_558 = arith.index_cast %add3A_452 : i32 to index
      %get3A_559 = tpu.vector_load %arg24[%get3A_557, %get3A_558] {strides = array<i32>} : memref<10x256xf32, #tpu.memory_space<vmem>>, vector<16xf32>,
      %mul3A_560 = vector.broadcast %squeeze3A_555 : f32 to vector<16xf32>
      %mul3A_561 = arith.mulf %mul3A_560, %get3A_559 : vector<16xf32>
      %add3A_562 = arith.addf %add3A_553, %mul3A_561 : vector<16xf32>
      %slice3A_563 = vector.extract_strided_slice %convert_element_type3A_177 {offsets = [5], sizes = [1], strides = [1]} : vector<16xf32> to vector<1xf32>
      %squeeze3A_564 = vector.extract %slice3A_563[0] : f32 from vector<1xf32>
      %get3A_565 = arith.constant 5 : i32
      %get3A_566 = arith.index_cast %get3A_565 : i32 to index
      %get3A_567 = arith.index_cast %add3A_452 : i32 to index
      %get3A_568 = tpu.vector_load %arg24[%get3A_566, %get3A_567] {strides = array<i32>} : memref<10x256xf32, #tpu.memory_space<vmem>>, vector<16xf32>,
      %mul3A_569 = vector.broadcast %squeeze3A_564 : f32 to vector<16xf32>
      %mul3A_570 = arith.mulf %mul3A_569, %get3A_568 : vector<16xf32>
      %add3A_571 = arith.addf %add3A_562, %mul3A_570 : vector<16xf32>
      %slice3A_572 = vector.extract_strided_slice %convert_element_type3A_177 {offsets = [6], sizes = [1], strides = [1]} : vector<16xf32> to vector<1xf32>
      %squeeze3A_573 = vector.extract %slice3A_572[0] : f32 from vector<1xf32>
      %get3A_574 = arith.constant 6 : i32
      %get3A_575 = arith.index_cast %get3A_574 : i32 to index
      %get3A_576 = arith.index_cast %add3A_452 : i32 to index
      %get3A_577 = tpu.vector_load %arg24[%get3A_575, %get3A_576] {strides = array<i32>} : memref<10x256xf32, #tpu.memory_space<vmem>>, vector<16xf32>,
      %mul3A_578 = vector.broadcast %squeeze3A_573 : f32 to vector<16xf32>
      %mul3A_579 = arith.mulf %mul3A_578, %get3A_577 : vector<16xf32>
      %add3A_580 = arith.addf %add3A_571, %mul3A_579 : vector<16xf32>
      %slice3A_581 = vector.extract_strided_slice %convert_element_type3A_177 {offsets = [7], sizes = [1], strides = [1]} : vector<16xf32> to vector<1xf32>
      %squeeze3A_582 = vector.extract %slice3A_581[0] : f32 from vector<1xf32>
      %get3A_583 = arith.constant 7 : i32
      %get3A_584 = arith.index_cast %get3A_583 : i32 to index
      %get3A_585 = arith.index_cast %add3A_452 : i32 to index
      %get3A_586 = tpu.vector_load %arg24[%get3A_584, %get3A_585] {strides = array<i32>} : memref<10x256xf32, #tpu.memory_space<vmem>>, vector<16xf32>,
      %mul3A_587 = vector.broadcast %squeeze3A_582 : f32 to vector<16xf32>
      %mul3A_588 = arith.mulf %mul3A_587, %get3A_586 : vector<16xf32>
      %add3A_589 = arith.addf %add3A_580, %mul3A_588 : vector<16xf32>
      %slice3A_590 = vector.extract_strided_slice %convert_element_type3A_177 {offsets = [8], sizes = [1], strides = [1]} : vector<16xf32> to vector<1xf32>
      %squeeze3A_591 = vector.extract %slice3A_590[0] : f32 from vector<1xf32>
      %get3A_592 = arith.constant 8 : i32
      %get3A_593 = arith.index_cast %get3A_592 : i32 to index
      %get3A_594 = arith.index_cast %add3A_452 : i32 to index
      %get3A_595 = tpu.vector_load %arg24[%get3A_593, %get3A_594] {strides = array<i32>} : memref<10x256xf32, #tpu.memory_space<vmem>>, vector<16xf32>,
      %mul3A_596 = vector.broadcast %squeeze3A_591 : f32 to vector<16xf32>
      %mul3A_597 = arith.mulf %mul3A_596, %get3A_595 : vector<16xf32>
      %add3A_598 = arith.addf %add3A_589, %mul3A_597 : vector<16xf32>
      %slice3A_599 = vector.extract_strided_slice %convert_element_type3A_177 {offsets = [9], sizes = [1], strides = [1]} : vector<16xf32> to vector<1xf32>
      %squeeze3A_600 = vector.extract %slice3A_599[0] : f32 from vector<1xf32>
      %get3A_601 = arith.constant 9 : i32
      %get3A_602 = arith.index_cast %get3A_601 : i32 to index
      %get3A_603 = arith.index_cast %add3A_452 : i32 to index
      %get3A_604 = tpu.vector_load %arg24[%get3A_602, %get3A_603] {strides = array<i32>} : memref<10x256xf32, #tpu.memory_space<vmem>>, vector<16xf32>,
      %mul3A_605 = vector.broadcast %squeeze3A_600 : f32 to vector<16xf32>
      %mul3A_606 = arith.mulf %mul3A_605, %get3A_604 : vector<16xf32>
      %add3A_607 = arith.addf %add3A_598, %mul3A_606 : vector<16xf32>
      %slice3A_608 = vector.extract_strided_slice %mul3A_209 {offsets = [1], sizes = [1], strides = [1]} : vector<16xf32> to vector<1xf32>
      %squeeze3A_609 = vector.extract %slice3A_608[0] : f32 from vector<1xf32>
      %get3A_610 = arith.constant 0 : i32
      %get3A_611 = arith.index_cast %get3A_610 : i32 to index
      %get3A_612 = arith.index_cast %add3A_452 : i32 to index
      %get3A_613 = tpu.vector_load %arg25[%get3A_611, %get3A_612] {strides = array<i32>} : memref<9x256xf32, #tpu.memory_space<vmem>>, vector<16xf32>,
      %mul3A_614 = vector.broadcast %squeeze3A_609 : f32 to vector<16xf32>
      %mul3A_615 = arith.mulf %mul3A_614, %get3A_613 : vector<16xf32>
      %add3A_616 = arith.addf %add3A_607, %mul3A_615 : vector<16xf32>
      %slice3A_617 = vector.extract_strided_slice %mul3A_209 {offsets = [2], sizes = [1], strides = [1]} : vector<16xf32> to vector<1xf32>
      %squeeze3A_618 = vector.extract %slice3A_617[0] : f32 from vector<1xf32>
      %get3A_619 = arith.constant 1 : i32
      %get3A_620 = arith.index_cast %get3A_619 : i32 to index
      %get3A_621 = arith.index_cast %add3A_452 : i32 to index
      %get3A_622 = tpu.vector_load %arg25[%get3A_620, %get3A_621] {strides = array<i32>} : memref<9x256xf32, #tpu.memory_space<vmem>>, vector<16xf32>,
      %mul3A_623 = vector.broadcast %squeeze3A_618 : f32 to vector<16xf32>
      %mul3A_624 = arith.mulf %mul3A_623, %get3A_622 : vector<16xf32>
      %add3A_625 = arith.addf %add3A_616, %mul3A_624 : vector<16xf32>
      %slice3A_626 = vector.extract_strided_slice %mul3A_209 {offsets = [3], sizes = [1], strides = [1]} : vector<16xf32> to vector<1xf32>
      %squeeze3A_627 = vector.extract %slice3A_626[0] : f32 from vector<1xf32>
      %get3A_628 = arith.constant 2 : i32
      %get3A_629 = arith.index_cast %get3A_628 : i32 to index
      %get3A_630 = arith.index_cast %add3A_452 : i32 to index
      %get3A_631 = tpu.vector_load %arg25[%get3A_629, %get3A_630] {strides = array<i32>} : memref<9x256xf32, #tpu.memory_space<vmem>>, vector<16xf32>,
      %mul3A_632 = vector.broadcast %squeeze3A_627 : f32 to vector<16xf32>
      %mul3A_633 = arith.mulf %mul3A_632, %get3A_631 : vector<16xf32>
      %add3A_634 = arith.addf %add3A_625, %mul3A_633 : vector<16xf32>
      %slice3A_635 = vector.extract_strided_slice %mul3A_209 {offsets = [4], sizes = [1], strides = [1]} : vector<16xf32> to vector<1xf32>
      %squeeze3A_636 = vector.extract %slice3A_635[0] : f32 from vector<1xf32>
      %get3A_637 = arith.constant 3 : i32
      %get3A_638 = arith.index_cast %get3A_637 : i32 to index
      %get3A_639 = arith.index_cast %add3A_452 : i32 to index
      %get3A_640 = tpu.vector_load %arg25[%get3A_638, %get3A_639] {strides = array<i32>} : memref<9x256xf32, #tpu.memory_space<vmem>>, vector<16xf32>,
      %mul3A_641 = vector.broadcast %squeeze3A_636 : f32 to vector<16xf32>
      %mul3A_642 = arith.mulf %mul3A_641, %get3A_640 : vector<16xf32>
      %add3A_643 = arith.addf %add3A_634, %mul3A_642 : vector<16xf32>
      %slice3A_644 = vector.extract_strided_slice %mul3A_209 {offsets = [5], sizes = [1], strides = [1]} : vector<16xf32> to vector<1xf32>
      %squeeze3A_645 = vector.extract %slice3A_644[0] : f32 from vector<1xf32>
      %get3A_646 = arith.constant 4 : i32
      %get3A_647 = arith.index_cast %get3A_646 : i32 to index
      %get3A_648 = arith.index_cast %add3A_452 : i32 to index
      %get3A_649 = tpu.vector_load %arg25[%get3A_647, %get3A_648] {strides = array<i32>} : memref<9x256xf32, #tpu.memory_space<vmem>>, vector<16xf32>,
      %mul3A_650 = vector.broadcast %squeeze3A_645 : f32 to vector<16xf32>
      %mul3A_651 = arith.mulf %mul3A_650, %get3A_649 : vector<16xf32>
      %add3A_652 = arith.addf %add3A_643, %mul3A_651 : vector<16xf32>
      %slice3A_653 = vector.extract_strided_slice %mul3A_209 {offsets = [6], sizes = [1], strides = [1]} : vector<16xf32> to vector<1xf32>
      %squeeze3A_654 = vector.extract %slice3A_653[0] : f32 from vector<1xf32>
      %get3A_655 = arith.constant 5 : i32
      %get3A_656 = arith.index_cast %get3A_655 : i32 to index
      %get3A_657 = arith.index_cast %add3A_452 : i32 to index
      %get3A_658 = tpu.vector_load %arg25[%get3A_656, %get3A_657] {strides = array<i32>} : memref<9x256xf32, #tpu.memory_space<vmem>>, vector<16xf32>,
      %mul3A_659 = vector.broadcast %squeeze3A_654 : f32 to vector<16xf32>
      %mul3A_660 = arith.mulf %mul3A_659, %get3A_658 : vector<16xf32>
      %add3A_661 = arith.addf %add3A_652, %mul3A_660 : vector<16xf32>
      %slice3A_662 = vector.extract_strided_slice %mul3A_209 {offsets = [7], sizes = [1], strides = [1]} : vector<16xf32> to vector<1xf32>
      %squeeze3A_663 = vector.extract %slice3A_662[0] : f32 from vector<1xf32>
      %get3A_664 = arith.constant 6 : i32
      %get3A_665 = arith.index_cast %get3A_664 : i32 to index
      %get3A_666 = arith.index_cast %add3A_452 : i32 to index
      %get3A_667 = tpu.vector_load %arg25[%get3A_665, %get3A_666] {strides = array<i32>} : memref<9x256xf32, #tpu.memory_space<vmem>>, vector<16xf32>,
      %mul3A_668 = vector.broadcast %squeeze3A_663 : f32 to vector<16xf32>
      %mul3A_669 = arith.mulf %mul3A_668, %get3A_667 : vector<16xf32>
      %add3A_670 = arith.addf %add3A_661, %mul3A_669 : vector<16xf32>
      %slice3A_671 = vector.extract_strided_slice %mul3A_209 {offsets = [8], sizes = [1], strides = [1]} : vector<16xf32> to vector<1xf32>
      %squeeze3A_672 = vector.extract %slice3A_671[0] : f32 from vector<1xf32>
      %get3A_673 = arith.constant 7 : i32
      %get3A_674 = arith.index_cast %get3A_673 : i32 to index
      %get3A_675 = arith.index_cast %add3A_452 : i32 to index
      %get3A_676 = tpu.vector_load %arg25[%get3A_674, %get3A_675] {strides = array<i32>} : memref<9x256xf32, #tpu.memory_space<vmem>>, vector<16xf32>,
      %mul3A_677 = vector.broadcast %squeeze3A_672 : f32 to vector<16xf32>
      %mul3A_678 = arith.mulf %mul3A_677, %get3A_676 : vector<16xf32>
      %add3A_679 = arith.addf %add3A_670, %mul3A_678 : vector<16xf32>
      %slice3A_680 = vector.extract_strided_slice %mul3A_209 {offsets = [9], sizes = [1], strides = [1]} : vector<16xf32> to vector<1xf32>
      %squeeze3A_681 = vector.extract %slice3A_680[0] : f32 from vector<1xf32>
      %get3A_682 = arith.constant 8 : i32
      %get3A_683 = arith.index_cast %get3A_682 : i32 to index
      %get3A_684 = arith.index_cast %add3A_452 : i32 to index
      %get3A_685 = tpu.vector_load %arg25[%get3A_683, %get3A_684] {strides = array<i32>} : memref<9x256xf32, #tpu.memory_space<vmem>>, vector<16xf32>,
      %mul3A_686 = vector.broadcast %squeeze3A_681 : f32 to vector<16xf32>
      %mul3A_687 = arith.mulf %mul3A_686, %get3A_685 : vector<16xf32>
      %add3A_688 = arith.addf %add3A_679, %mul3A_687 : vector<16xf32>
      %dma_wait3A = arith.constant 0 : i32
      %dma_wait3A_689 = arith.constant 0 : i32
      %dma_wait3A_690 = tpu.memref_slice %arg10[%dma_wait3A, %dma_wait3A_689] : memref<132x256xf32, #tpu.memory_space<hbm>> -> memref<132x256xf32, #tpu.memory_space<hbm>>
      tpu.wait_indirect_dma semaphore(%arg28 : memref<!tpu.dma_semaphore, #tpu.memory_space<semaphore_mem>>) src(%dma_wait3A_690 : memref<132x256xf32, #tpu.memory_space<hbm>>) dst(%arg18 : memref<16x256xf32, #tpu.memory_space<vmem>>)
      %dma_wait3A_691 = arith.constant 0 : i32
      %dma_wait3A_692 = tpu.memref_slice %arg14[%dma_wait3A_691] : memref<16xi32, #tpu.memory_space<vmem>> -> memref<8xi32, #tpu.memory_space<vmem>>
      %dma_wait3A_693 = arith.constant 0 : i32
      %dma_wait3A_694 = arith.constant 0 : i32
      %dma_wait3A_695 = tpu.memref_slice %arg6[%dma_wait3A_693, %dma_wait3A_694] : memref<2048x256xf32, #tpu.memory_space<hbm>> -> memref<2048x256xf32, #tpu.memory_space<hbm>>
      tpu.wait_indirect_dma semaphore(%arg28 : memref<!tpu.dma_semaphore, #tpu.memory_space<semaphore_mem>>) src(%dma_wait3A_695 : memref<2048x256xf32, #tpu.memory_space<hbm>>) dst(%arg19 : memref<8x256xf32, #tpu.memory_space<vmem>>)
      %dma_wait3A_696 = arith.constant 0 : i32
      %dma_wait3A_697 = tpu.memref_slice %arg15[%dma_wait3A_696] : memref<16xi32, #tpu.memory_space<vmem>> -> memref<1xi32, #tpu.memory_space<vmem>>
      %dma_wait3A_698 = arith.constant 0 : i32
      %dma_wait3A_699 = arith.constant 0 : i32
      %dma_wait3A_700 = tpu.memref_slice %arg3[%dma_wait3A_698, %dma_wait3A_699] : memref<1024x256xf32, #tpu.memory_space<hbm>> -> memref<1024x256xf32, #tpu.memory_space<hbm>>
      tpu.wait_indirect_dma semaphore(%arg28 : memref<!tpu.dma_semaphore, #tpu.memory_space<semaphore_mem>>) src(%dma_wait3A_700 : memref<1024x256xf32, #tpu.memory_space<hbm>>) dst(%arg20 : memref<1x256xf32, #tpu.memory_space<vmem>>)
      %dma_wait3A_701 = arith.constant 0 : i32
      %dma_wait3A_702 = tpu.memref_slice %arg16[%dma_wait3A_701] : memref<16xi32, #tpu.memory_space<vmem>> -> memref<1xi32, #tpu.memory_space<vmem>>
      %dma_wait3A_703 = arith.constant 0 : i32
      %dma_wait3A_704 = arith.constant 0 : i32
      %dma_wait3A_705 = tpu.memref_slice %arg4[%dma_wait3A_703, %dma_wait3A_704] : memref<320x256xf32, #tpu.memory_space<hbm>> -> memref<320x256xf32, #tpu.memory_space<hbm>>
      tpu.wait_indirect_dma semaphore(%arg28 : memref<!tpu.dma_semaphore, #tpu.memory_space<semaphore_mem>>) src(%dma_wait3A_705 : memref<320x256xf32, #tpu.memory_space<hbm>>) dst(%arg21 : memref<1x256xf32, #tpu.memory_space<vmem>>)
      %dma_wait3A_706 = arith.constant 0 : i32
      %dma_wait3A_707 = tpu.memref_slice %arg17[%dma_wait3A_706] : memref<16xi32, #tpu.memory_space<vmem>> -> memref<1xi32, #tpu.memory_space<vmem>>
      %dma_wait3A_708 = arith.constant 0 : i32
      %dma_wait3A_709 = arith.constant 0 : i32
      %dma_wait3A_710 = tpu.memref_slice %arg5[%dma_wait3A_708, %dma_wait3A_709] : memref<512x256xf32, #tpu.memory_space<hbm>> -> memref<512x256xf32, #tpu.memory_space<hbm>>
      tpu.wait_indirect_dma semaphore(%arg28 : memref<!tpu.dma_semaphore, #tpu.memory_space<semaphore_mem>>) src(%dma_wait3A_710 : memref<512x256xf32, #tpu.memory_space<hbm>>) dst(%arg22 : memref<1x256xf32, #tpu.memory_space<vmem>>)
      %mul3A_711 = arith.constant 32 : i32
      %mul3A_712 = arith.muli %arg1, %mul3A_711 : i32
      %add3A_713 = arith.constant 0 : i32
      %add3A_714 = arith.addi %mul3A_712, %add3A_713 : i32
      %get3A_715 = arith.constant 0 : i32
      %get3A_716 = arith.index_cast %get3A_715 : i32 to index
      %get3A_717 = arith.index_cast %add3A_714 : i32 to index
      %get3A_718 = tpu.vector_load %arg18[%get3A_716, %get3A_717] {strides = array<i32>} : memref<16x256xf32, #tpu.memory_space<vmem>>, vector<16xf32>,
      %add3A_719 = arith.addf %add3A_448, %get3A_718 : vector<16xf32>
      %get3A_720 = arith.constant 1 : i32
      %get3A_721 = arith.index_cast %get3A_720 : i32 to index
      %get3A_722 = arith.index_cast %add3A_714 : i32 to index
      %get3A_723 = tpu.vector_load %arg18[%get3A_721, %get3A_722] {strides = array<i32>} : memref<16x256xf32, #tpu.memory_space<vmem>>, vector<16xf32>,
      %add3A_724 = arith.addf %add3A_719, %get3A_723 : vector<16xf32>
      %get3A_725 = arith.constant 2 : i32
      %get3A_726 = arith.index_cast %get3A_725 : i32 to index
      %get3A_727 = arith.index_cast %add3A_714 : i32 to index
      %get3A_728 = tpu.vector_load %arg18[%get3A_726, %get3A_727] {strides = array<i32>} : memref<16x256xf32, #tpu.memory_space<vmem>>, vector<16xf32>,
      %add3A_729 = arith.addf %add3A_724, %get3A_728 : vector<16xf32>
      %get3A_730 = arith.constant 3 : i32
      %get3A_731 = arith.index_cast %get3A_730 : i32 to index
      %get3A_732 = arith.index_cast %add3A_714 : i32 to index
      %get3A_733 = tpu.vector_load %arg18[%get3A_731, %get3A_732] {strides = array<i32>} : memref<16x256xf32, #tpu.memory_space<vmem>>, vector<16xf32>,
      %add3A_734 = arith.addf %add3A_729, %get3A_733 : vector<16xf32>
      %get3A_735 = arith.constant 4 : i32
      %get3A_736 = arith.index_cast %get3A_735 : i32 to index
      %get3A_737 = arith.index_cast %add3A_714 : i32 to index
      %get3A_738 = tpu.vector_load %arg18[%get3A_736, %get3A_737] {strides = array<i32>} : memref<16x256xf32, #tpu.memory_space<vmem>>, vector<16xf32>,
      %add3A_739 = arith.addf %add3A_734, %get3A_738 : vector<16xf32>
      %get3A_740 = arith.constant 5 : i32
      %get3A_741 = arith.index_cast %get3A_740 : i32 to index
      %get3A_742 = arith.index_cast %add3A_714 : i32 to index
      %get3A_743 = tpu.vector_load %arg18[%get3A_741, %get3A_742] {strides = array<i32>} : memref<16x256xf32, #tpu.memory_space<vmem>>, vector<16xf32>,
      %add3A_744 = arith.addf %add3A_739, %get3A_743 : vector<16xf32>
      %get3A_745 = arith.constant 6 : i32
      %get3A_746 = arith.index_cast %get3A_745 : i32 to index
      %get3A_747 = arith.index_cast %add3A_714 : i32 to index
      %get3A_748 = tpu.vector_load %arg18[%get3A_746, %get3A_747] {strides = array<i32>} : memref<16x256xf32, #tpu.memory_space<vmem>>, vector<16xf32>,
      %add3A_749 = arith.addf %add3A_744, %get3A_748 : vector<16xf32>
      %get3A_750 = arith.constant 7 : i32
      %get3A_751 = arith.index_cast %get3A_750 : i32 to index
      %get3A_752 = arith.index_cast %add3A_714 : i32 to index
      %get3A_753 = tpu.vector_load %arg18[%get3A_751, %get3A_752] {strides = array<i32>} : memref<16x256xf32, #tpu.memory_space<vmem>>, vector<16xf32>,
      %add3A_754 = arith.addf %add3A_749, %get3A_753 : vector<16xf32>
      %get3A_755 = arith.constant 8 : i32
      %get3A_756 = arith.index_cast %get3A_755 : i32 to index
      %get3A_757 = arith.index_cast %add3A_714 : i32 to index
      %get3A_758 = tpu.vector_load %arg18[%get3A_756, %get3A_757] {strides = array<i32>} : memref<16x256xf32, #tpu.memory_space<vmem>>, vector<16xf32>,
      %add3A_759 = arith.addf %add3A_754, %get3A_758 : vector<16xf32>
      %get3A_760 = arith.constant 9 : i32
      %get3A_761 = arith.index_cast %get3A_760 : i32 to index
      %get3A_762 = arith.index_cast %add3A_714 : i32 to index
      %get3A_763 = tpu.vector_load %arg18[%get3A_761, %get3A_762] {strides = array<i32>} : memref<16x256xf32, #tpu.memory_space<vmem>>, vector<16xf32>,
      %add3A_764 = arith.addf %add3A_759, %get3A_763 : vector<16xf32>
      %get3A_765 = arith.constant 10 : i32
      %get3A_766 = arith.index_cast %get3A_765 : i32 to index
      %get3A_767 = arith.index_cast %add3A_714 : i32 to index
      %get3A_768 = tpu.vector_load %arg18[%get3A_766, %get3A_767] {strides = array<i32>} : memref<16x256xf32, #tpu.memory_space<vmem>>, vector<16xf32>,
      %add3A_769 = arith.addf %add3A_764, %get3A_768 : vector<16xf32>
      %get3A_770 = arith.constant 11 : i32
      %get3A_771 = arith.index_cast %get3A_770 : i32 to index
      %get3A_772 = arith.index_cast %add3A_714 : i32 to index
      %get3A_773 = tpu.vector_load %arg18[%get3A_771, %get3A_772] {strides = array<i32>} : memref<16x256xf32, #tpu.memory_space<vmem>>, vector<16xf32>,
      %add3A_774 = arith.addf %add3A_769, %get3A_773 : vector<16xf32>
      %get3A_775 = arith.constant 12 : i32
      %get3A_776 = arith.index_cast %get3A_775 : i32 to index
      %get3A_777 = arith.index_cast %add3A_714 : i32 to index
      %get3A_778 = tpu.vector_load %arg18[%get3A_776, %get3A_777] {strides = array<i32>} : memref<16x256xf32, #tpu.memory_space<vmem>>, vector<16xf32>,
      %add3A_779 = arith.addf %add3A_774, %get3A_778 : vector<16xf32>
      %get3A_780 = arith.constant 13 : i32
      %get3A_781 = arith.index_cast %get3A_780 : i32 to index
      %get3A_782 = arith.index_cast %add3A_714 : i32 to index
      %get3A_783 = tpu.vector_load %arg18[%get3A_781, %get3A_782] {strides = array<i32>} : memref<16x256xf32, #tpu.memory_space<vmem>>, vector<16xf32>,
      %add3A_784 = arith.addf %add3A_779, %get3A_783 : vector<16xf32>
      %get3A_785 = arith.constant 14 : i32
      %get3A_786 = arith.index_cast %get3A_785 : i32 to index
      %get3A_787 = arith.index_cast %add3A_714 : i32 to index
      %get3A_788 = tpu.vector_load %arg18[%get3A_786, %get3A_787] {strides = array<i32>} : memref<16x256xf32, #tpu.memory_space<vmem>>, vector<16xf32>,
      %add3A_789 = arith.addf %add3A_784, %get3A_788 : vector<16xf32>
      %get3A_790 = arith.constant 15 : i32
      %get3A_791 = arith.index_cast %get3A_790 : i32 to index
      %get3A_792 = arith.index_cast %add3A_714 : i32 to index
      %get3A_793 = tpu.vector_load %arg18[%get3A_791, %get3A_792] {strides = array<i32>} : memref<16x256xf32, #tpu.memory_space<vmem>>, vector<16xf32>,
      %add3A_794 = arith.addf %add3A_789, %get3A_793 : vector<16xf32>
      %get3A_795 = arith.constant 0 : i32
      %get3A_796 = arith.index_cast %get3A_795 : i32 to index
      %get3A_797 = arith.index_cast %add3A_714 : i32 to index
      %get3A_798 = tpu.vector_load %arg19[%get3A_796, %get3A_797] {strides = array<i32>} : memref<8x256xf32, #tpu.memory_space<vmem>>, vector<16xf32>,
      %add3A_799 = arith.addf %add3A_794, %get3A_798 : vector<16xf32>
      %get3A_800 = arith.constant 1 : i32
      %get3A_801 = arith.index_cast %get3A_800 : i32 to index
      %get3A_802 = arith.index_cast %add3A_714 : i32 to index
      %get3A_803 = tpu.vector_load %arg19[%get3A_801, %get3A_802] {strides = array<i32>} : memref<8x256xf32, #tpu.memory_space<vmem>>, vector<16xf32>,
      %add3A_804 = arith.addf %add3A_799, %get3A_803 : vector<16xf32>
      %get3A_805 = arith.constant 2 : i32
      %get3A_806 = arith.index_cast %get3A_805 : i32 to index
      %get3A_807 = arith.index_cast %add3A_714 : i32 to index
      %get3A_808 = tpu.vector_load %arg19[%get3A_806, %get3A_807] {strides = array<i32>} : memref<8x256xf32, #tpu.memory_space<vmem>>, vector<16xf32>,
      %add3A_809 = arith.addf %add3A_804, %get3A_808 : vector<16xf32>
      %get3A_810 = arith.constant 3 : i32
      %get3A_811 = arith.index_cast %get3A_810 : i32 to index
      %get3A_812 = arith.index_cast %add3A_714 : i32 to index
      %get3A_813 = tpu.vector_load %arg19[%get3A_811, %get3A_812] {strides = array<i32>} : memref<8x256xf32, #tpu.memory_space<vmem>>, vector<16xf32>,
      %add3A_814 = arith.addf %add3A_809, %get3A_813 : vector<16xf32>
      %slice3A_815 = vector.extract_strided_slice %div3A_166 {offsets = [4], sizes = [1], strides = [1]} : vector<16xf32> to vector<1xf32>
      %squeeze3A_816 = vector.extract %slice3A_815[0] : f32 from vector<1xf32>
      %get3A_817 = arith.constant 4 : i32
      %get3A_818 = arith.index_cast %get3A_817 : i32 to index
      %get3A_819 = arith.index_cast %add3A_714 : i32 to index
      %get3A_820 = tpu.vector_load %arg19[%get3A_818, %get3A_819] {strides = array<i32>} : memref<8x256xf32, #tpu.memory_space<vmem>>, vector<16xf32>,
      %mul3A_821 = vector.broadcast %squeeze3A_816 : f32 to vector<16xf32>
      %mul3A_822 = arith.mulf %mul3A_821, %get3A_820 : vector<16xf32>
      %add3A_823 = arith.addf %add3A_814, %mul3A_822 : vector<16xf32>
      %slice3A_824 = vector.extract_strided_slice %div3A_166 {offsets = [5], sizes = [1], strides = [1]} : vector<16xf32> to vector<1xf32>
      %squeeze3A_825 = vector.extract %slice3A_824[0] : f32 from vector<1xf32>
      %get3A_826 = arith.constant 5 : i32
      %get3A_827 = arith.index_cast %get3A_826 : i32 to index
      %get3A_828 = arith.index_cast %add3A_714 : i32 to index
      %get3A_829 = tpu.vector_load %arg19[%get3A_827, %get3A_828] {strides = array<i32>} : memref<8x256xf32, #tpu.memory_space<vmem>>, vector<16xf32>,
      %mul3A_830 = vector.broadcast %squeeze3A_825 : f32 to vector<16xf32>
      %mul3A_831 = arith.mulf %mul3A_830, %get3A_829 : vector<16xf32>
      %add3A_832 = arith.addf %add3A_823, %mul3A_831 : vector<16xf32>
      %slice3A_833 = vector.extract_strided_slice %div3A_166 {offsets = [6], sizes = [1], strides = [1]} : vector<16xf32> to vector<1xf32>
      %squeeze3A_834 = vector.extract %slice3A_833[0] : f32 from vector<1xf32>
      %get3A_835 = arith.constant 6 : i32
      %get3A_836 = arith.index_cast %get3A_835 : i32 to index
      %get3A_837 = arith.index_cast %add3A_714 : i32 to index
      %get3A_838 = tpu.vector_load %arg19[%get3A_836, %get3A_837] {strides = array<i32>} : memref<8x256xf32, #tpu.memory_space<vmem>>, vector<16xf32>,
      %mul3A_839 = vector.broadcast %squeeze3A_834 : f32 to vector<16xf32>
      %mul3A_840 = arith.mulf %mul3A_839, %get3A_838 : vector<16xf32>
      %add3A_841 = arith.addf %add3A_832, %mul3A_840 : vector<16xf32>
      %slice3A_842 = vector.extract_strided_slice %div3A_166 {offsets = [7], sizes = [1], strides = [1]} : vector<16xf32> to vector<1xf32>
      %squeeze3A_843 = vector.extract %slice3A_842[0] : f32 from vector<1xf32>
      %get3A_844 = arith.constant 7 : i32
      %get3A_845 = arith.index_cast %get3A_844 : i32 to index
      %get3A_846 = arith.index_cast %add3A_714 : i32 to index
      %get3A_847 = tpu.vector_load %arg19[%get3A_845, %get3A_846] {strides = array<i32>} : memref<8x256xf32, #tpu.memory_space<vmem>>, vector<16xf32>,
      %mul3A_848 = vector.broadcast %squeeze3A_843 : f32 to vector<16xf32>
      %mul3A_849 = arith.mulf %mul3A_848, %get3A_847 : vector<16xf32>
      %add3A_850 = arith.addf %add3A_841, %mul3A_849 : vector<16xf32>
      %get3A_851 = arith.constant 0 : i32
      %get3A_852 = arith.index_cast %get3A_851 : i32 to index
      %get3A_853 = arith.index_cast %add3A_714 : i32 to index
      %get3A_854 = tpu.vector_load %arg20[%get3A_852, %get3A_853] {strides = array<i32>} : memref<1x256xf32, #tpu.memory_space<vmem>>, vector<16xf32>,
      %add3A_855 = arith.addf %add3A_850, %get3A_854 : vector<16xf32>
      %get3A_856 = arith.constant 0 : i32
      %get3A_857 = arith.index_cast %get3A_856 : i32 to index
      %get3A_858 = arith.index_cast %add3A_714 : i32 to index
      %get3A_859 = tpu.vector_load %arg21[%get3A_857, %get3A_858] {strides = array<i32>} : memref<1x256xf32, #tpu.memory_space<vmem>>, vector<16xf32>,
      %add3A_860 = arith.addf %add3A_855, %get3A_859 : vector<16xf32>
      %get3A_861 = arith.constant 0 : i32
      %get3A_862 = arith.index_cast %get3A_861 : i32 to index
      %get3A_863 = arith.index_cast %add3A_714 : i32 to index
      %get3A_864 = tpu.vector_load %arg22[%get3A_862, %get3A_863] {strides = array<i32>} : memref<1x256xf32, #tpu.memory_space<vmem>>, vector<16xf32>,
      %add3A_865 = arith.addf %add3A_860, %get3A_864 : vector<16xf32>
      %mul3A_866 = vector.broadcast %select_n3A_163 : f32 to vector<16xf32>
      %mul3A_867 = arith.mulf %add3A_865, %mul3A_866 : vector<16xf32>
      %swap3A_868 = arith.constant 0 : index
      %swap3A_869 = tpu.vector_load %arg26[%swap3A_868] {strides = array<i32>} : memref<32xf32, #tpu.memory_space<vmem>>, vector<16xf32>,
      tpu.vector_store %arg26[%swap3A_868], %mul3A_867 {strides = array<i32>} : memref<32xf32, #tpu.memory_space<vmem>>, vector<16xf32>,
      %mul3A_870 = arith.constant 32 : i32
      %mul3A_871 = arith.muli %arg1, %mul3A_870 : i32
      %add3A_872 = arith.constant 16 : i32
      %add3A_873 = arith.addi %mul3A_871, %add3A_872 : i32
      %get3A_874 = arith.constant 0 : i32
      %get3A_875 = arith.index_cast %get3A_874 : i32 to index
      %get3A_876 = arith.index_cast %add3A_873 : i32 to index
      %get3A_877 = tpu.vector_load %arg18[%get3A_875, %get3A_876] {strides = array<i32>} : memref<16x256xf32, #tpu.memory_space<vmem>>, vector<16xf32>,
      %add3A_878 = arith.addf %add3A_688, %get3A_877 : vector<16xf32>
      %get3A_879 = arith.constant 1 : i32
      %get3A_880 = arith.index_cast %get3A_879 : i32 to index
      %get3A_881 = arith.index_cast %add3A_873 : i32 to index
      %get3A_882 = tpu.vector_load %arg18[%get3A_880, %get3A_881] {strides = array<i32>} : memref<16x256xf32, #tpu.memory_space<vmem>>, vector<16xf32>,
      %add3A_883 = arith.addf %add3A_878, %get3A_882 : vector<16xf32>
      %get3A_884 = arith.constant 2 : i32
      %get3A_885 = arith.index_cast %get3A_884 : i32 to index
      %get3A_886 = arith.index_cast %add3A_873 : i32 to index
      %get3A_887 = tpu.vector_load %arg18[%get3A_885, %get3A_886] {strides = array<i32>} : memref<16x256xf32, #tpu.memory_space<vmem>>, vector<16xf32>,
      %add3A_888 = arith.addf %add3A_883, %get3A_887 : vector<16xf32>
      %get3A_889 = arith.constant 3 : i32
      %get3A_890 = arith.index_cast %get3A_889 : i32 to index
      %get3A_891 = arith.index_cast %add3A_873 : i32 to index
      %get3A_892 = tpu.vector_load %arg18[%get3A_890, %get3A_891] {strides = array<i32>} : memref<16x256xf32, #tpu.memory_space<vmem>>, vector<16xf32>,
      %add3A_893 = arith.addf %add3A_888, %get3A_892 : vector<16xf32>
      %get3A_894 = arith.constant 4 : i32
      %get3A_895 = arith.index_cast %get3A_894 : i32 to index
      %get3A_896 = arith.index_cast %add3A_873 : i32 to index
      %get3A_897 = tpu.vector_load %arg18[%get3A_895, %get3A_896] {strides = array<i32>} : memref<16x256xf32, #tpu.memory_space<vmem>>, vector<16xf32>,
      %add3A_898 = arith.addf %add3A_893, %get3A_897 : vector<16xf32>
      %get3A_899 = arith.constant 5 : i32
      %get3A_900 = arith.index_cast %get3A_899 : i32 to index
      %get3A_901 = arith.index_cast %add3A_873 : i32 to index
      %get3A_902 = tpu.vector_load %arg18[%get3A_900, %get3A_901] {strides = array<i32>} : memref<16x256xf32, #tpu.memory_space<vmem>>, vector<16xf32>,
      %add3A_903 = arith.addf %add3A_898, %get3A_902 : vector<16xf32>
      %get3A_904 = arith.constant 6 : i32
      %get3A_905 = arith.index_cast %get3A_904 : i32 to index
      %get3A_906 = arith.index_cast %add3A_873 : i32 to index
      %get3A_907 = tpu.vector_load %arg18[%get3A_905, %get3A_906] {strides = array<i32>} : memref<16x256xf32, #tpu.memory_space<vmem>>, vector<16xf32>,
      %add3A_908 = arith.addf %add3A_903, %get3A_907 : vector<16xf32>
      %get3A_909 = arith.constant 7 : i32
      %get3A_910 = arith.index_cast %get3A_909 : i32 to index
      %get3A_911 = arith.index_cast %add3A_873 : i32 to index
      %get3A_912 = tpu.vector_load %arg18[%get3A_910, %get3A_911] {strides = array<i32>} : memref<16x256xf32, #tpu.memory_space<vmem>>, vector<16xf32>,
      %add3A_913 = arith.addf %add3A_908, %get3A_912 : vector<16xf32>
      %get3A_914 = arith.constant 8 : i32
      %get3A_915 = arith.index_cast %get3A_914 : i32 to index
      %get3A_916 = arith.index_cast %add3A_873 : i32 to index
      %get3A_917 = tpu.vector_load %arg18[%get3A_915, %get3A_916] {strides = array<i32>} : memref<16x256xf32, #tpu.memory_space<vmem>>, vector<16xf32>,
      %add3A_918 = arith.addf %add3A_913, %get3A_917 : vector<16xf32>
      %get3A_919 = arith.constant 9 : i32
      %get3A_920 = arith.index_cast %get3A_919 : i32 to index
      %get3A_921 = arith.index_cast %add3A_873 : i32 to index
      %get3A_922 = tpu.vector_load %arg18[%get3A_920, %get3A_921] {strides = array<i32>} : memref<16x256xf32, #tpu.memory_space<vmem>>, vector<16xf32>,
      %add3A_923 = arith.addf %add3A_918, %get3A_922 : vector<16xf32>
      %get3A_924 = arith.constant 10 : i32
      %get3A_925 = arith.index_cast %get3A_924 : i32 to index
      %get3A_926 = arith.index_cast %add3A_873 : i32 to index
      %get3A_927 = tpu.vector_load %arg18[%get3A_925, %get3A_926] {strides = array<i32>} : memref<16x256xf32, #tpu.memory_space<vmem>>, vector<16xf32>,
      %add3A_928 = arith.addf %add3A_923, %get3A_927 : vector<16xf32>
      %get3A_929 = arith.constant 11 : i32
      %get3A_930 = arith.index_cast %get3A_929 : i32 to index
      %get3A_931 = arith.index_cast %add3A_873 : i32 to index
      %get3A_932 = tpu.vector_load %arg18[%get3A_930, %get3A_931] {strides = array<i32>} : memref<16x256xf32, #tpu.memory_space<vmem>>, vector<16xf32>,
      %add3A_933 = arith.addf %add3A_928, %get3A_932 : vector<16xf32>
      %get3A_934 = arith.constant 12 : i32
      %get3A_935 = arith.index_cast %get3A_934 : i32 to index
      %get3A_936 = arith.index_cast %add3A_873 : i32 to index
      %get3A_937 = tpu.vector_load %arg18[%get3A_935, %get3A_936] {strides = array<i32>} : memref<16x256xf32, #tpu.memory_space<vmem>>, vector<16xf32>,
      %add3A_938 = arith.addf %add3A_933, %get3A_937 : vector<16xf32>
      %get3A_939 = arith.constant 13 : i32
      %get3A_940 = arith.index_cast %get3A_939 : i32 to index
      %get3A_941 = arith.index_cast %add3A_873 : i32 to index
      %get3A_942 = tpu.vector_load %arg18[%get3A_940, %get3A_941] {strides = array<i32>} : memref<16x256xf32, #tpu.memory_space<vmem>>, vector<16xf32>,
      %add3A_943 = arith.addf %add3A_938, %get3A_942 : vector<16xf32>
      %get3A_944 = arith.constant 14 : i32
      %get3A_945 = arith.index_cast %get3A_944 : i32 to index
      %get3A_946 = arith.index_cast %add3A_873 : i32 to index
      %get3A_947 = tpu.vector_load %arg18[%get3A_945, %get3A_946] {strides = array<i32>} : memref<16x256xf32, #tpu.memory_space<vmem>>, vector<16xf32>,
      %add3A_948 = arith.addf %add3A_943, %get3A_947 : vector<16xf32>
      %get3A_949 = arith.constant 15 : i32
      %get3A_950 = arith.index_cast %get3A_949 : i32 to index
      %get3A_951 = arith.index_cast %add3A_873 : i32 to index
      %get3A_952 = tpu.vector_load %arg18[%get3A_950, %get3A_951] {strides = array<i32>} : memref<16x256xf32, #tpu.memory_space<vmem>>, vector<16xf32>,
      %add3A_953 = arith.addf %add3A_948, %get3A_952 : vector<16xf32>
      %get3A_954 = arith.constant 0 : i32
      %get3A_955 = arith.index_cast %get3A_954 : i32 to index
      %get3A_956 = arith.index_cast %add3A_873 : i32 to index
      %get3A_957 = tpu.vector_load %arg19[%get3A_955, %get3A_956] {strides = array<i32>} : memref<8x256xf32, #tpu.memory_space<vmem>>, vector<16xf32>,
      %add3A_958 = arith.addf %add3A_953, %get3A_957 : vector<16xf32>
      %get3A_959 = arith.constant 1 : i32
      %get3A_960 = arith.index_cast %get3A_959 : i32 to index
      %get3A_961 = arith.index_cast %add3A_873 : i32 to index
      %get3A_962 = tpu.vector_load %arg19[%get3A_960, %get3A_961] {strides = array<i32>} : memref<8x256xf32, #tpu.memory_space<vmem>>, vector<16xf32>,
      %add3A_963 = arith.addf %add3A_958, %get3A_962 : vector<16xf32>
      %get3A_964 = arith.constant 2 : i32
      %get3A_965 = arith.index_cast %get3A_964 : i32 to index
      %get3A_966 = arith.index_cast %add3A_873 : i32 to index
      %get3A_967 = tpu.vector_load %arg19[%get3A_965, %get3A_966] {strides = array<i32>} : memref<8x256xf32, #tpu.memory_space<vmem>>, vector<16xf32>,
      %add3A_968 = arith.addf %add3A_963, %get3A_967 : vector<16xf32>
      %get3A_969 = arith.constant 3 : i32
      %get3A_970 = arith.index_cast %get3A_969 : i32 to index
      %get3A_971 = arith.index_cast %add3A_873 : i32 to index
      %get3A_972 = tpu.vector_load %arg19[%get3A_970, %get3A_971] {strides = array<i32>} : memref<8x256xf32, #tpu.memory_space<vmem>>, vector<16xf32>,
      %add3A_973 = arith.addf %add3A_968, %get3A_972 : vector<16xf32>
      %slice3A_974 = vector.extract_strided_slice %div3A_166 {offsets = [4], sizes = [1], strides = [1]} : vector<16xf32> to vector<1xf32>
      %squeeze3A_975 = vector.extract %slice3A_974[0] : f32 from vector<1xf32>
      %get3A_976 = arith.constant 4 : i32
      %get3A_977 = arith.index_cast %get3A_976 : i32 to index
      %get3A_978 = arith.index_cast %add3A_873 : i32 to index
      %get3A_979 = tpu.vector_load %arg19[%get3A_977, %get3A_978] {strides = array<i32>} : memref<8x256xf32, #tpu.memory_space<vmem>>, vector<16xf32>,
      %mul3A_980 = vector.broadcast %squeeze3A_975 : f32 to vector<16xf32>
      %mul3A_981 = arith.mulf %mul3A_980, %get3A_979 : vector<16xf32>
      %add3A_982 = arith.addf %add3A_973, %mul3A_981 : vector<16xf32>
      %slice3A_983 = vector.extract_strided_slice %div3A_166 {offsets = [5], sizes = [1], strides = [1]} : vector<16xf32> to vector<1xf32>
      %squeeze3A_984 = vector.extract %slice3A_983[0] : f32 from vector<1xf32>
      %get3A_985 = arith.constant 5 : i32
      %get3A_986 = arith.index_cast %get3A_985 : i32 to index
      %get3A_987 = arith.index_cast %add3A_873 : i32 to index
      %get3A_988 = tpu.vector_load %arg19[%get3A_986, %get3A_987] {strides = array<i32>} : memref<8x256xf32, #tpu.memory_space<vmem>>, vector<16xf32>,
      %mul3A_989 = vector.broadcast %squeeze3A_984 : f32 to vector<16xf32>
      %mul3A_990 = arith.mulf %mul3A_989, %get3A_988 : vector<16xf32>
      %add3A_991 = arith.addf %add3A_982, %mul3A_990 : vector<16xf32>
      %slice3A_992 = vector.extract_strided_slice %div3A_166 {offsets = [6], sizes = [1], strides = [1]} : vector<16xf32> to vector<1xf32>
      %squeeze3A_993 = vector.extract %slice3A_992[0] : f32 from vector<1xf32>
      %get3A_994 = arith.constant 6 : i32
      %get3A_995 = arith.index_cast %get3A_994 : i32 to index
      %get3A_996 = arith.index_cast %add3A_873 : i32 to index
      %get3A_997 = tpu.vector_load %arg19[%get3A_995, %get3A_996] {strides = array<i32>} : memref<8x256xf32, #tpu.memory_space<vmem>>, vector<16xf32>,
      %mul3A_998 = vector.broadcast %squeeze3A_993 : f32 to vector<16xf32>
      %mul3A_999 = arith.mulf %mul3A_998, %get3A_997 : vector<16xf32>
      %add3A_1000 = arith.addf %add3A_991, %mul3A_999 : vector<16xf32>
      %slice3A_1001 = vector.extract_strided_slice %div3A_166 {offsets = [7], sizes = [1], strides = [1]} : vector<16xf32> to vector<1xf32>
      %squeeze3A_1002 = vector.extract %slice3A_1001[0] : f32 from vector<1xf32>
      %get3A_1003 = arith.constant 7 : i32
      %get3A_1004 = arith.index_cast %get3A_1003 : i32 to index
      %get3A_1005 = arith.index_cast %add3A_873 : i32 to index
      %get3A_1006 = tpu.vector_load %arg19[%get3A_1004, %get3A_1005] {strides = array<i32>} : memref<8x256xf32, #tpu.memory_space<vmem>>, vector<16xf32>,
      %mul3A_1007 = vector.broadcast %squeeze3A_1002 : f32 to vector<16xf32>
      %mul3A_1008 = arith.mulf %mul3A_1007, %get3A_1006 : vector<16xf32>
      %add3A_1009 = arith.addf %add3A_1000, %mul3A_1008 : vector<16xf32>
      %get3A_1010 = arith.constant 0 : i32
      %get3A_1011 = arith.index_cast %get3A_1010 : i32 to index
      %get3A_1012 = arith.index_cast %add3A_873 : i32 to index
      %get3A_1013 = tpu.vector_load %arg20[%get3A_1011, %get3A_1012] {strides = array<i32>} : memref<1x256xf32, #tpu.memory_space<vmem>>, vector<16xf32>,
      %add3A_1014 = arith.addf %add3A_1009, %get3A_1013 : vector<16xf32>
      %get3A_1015 = arith.constant 0 : i32
      %get3A_1016 = arith.index_cast %get3A_1015 : i32 to index
      %get3A_1017 = arith.index_cast %add3A_873 : i32 to index
      %get3A_1018 = tpu.vector_load %arg21[%get3A_1016, %get3A_1017] {strides = array<i32>} : memref<1x256xf32, #tpu.memory_space<vmem>>, vector<16xf32>,
      %add3A_1019 = arith.addf %add3A_1014, %get3A_1018 : vector<16xf32>
      %get3A_1020 = arith.constant 0 : i32
      %get3A_1021 = arith.index_cast %get3A_1020 : i32 to index
      %get3A_1022 = arith.index_cast %add3A_873 : i32 to index
      %get3A_1023 = tpu.vector_load %arg22[%get3A_1021, %get3A_1022] {strides = array<i32>} : memref<1x256xf32, #tpu.memory_space<vmem>>, vector<16xf32>,
      %add3A_1024 = arith.addf %add3A_1019, %get3A_1023 : vector<16xf32>
      %mul3A_1025 = vector.broadcast %select_n3A_163 : f32 to vector<16xf32>
      %mul3A_1026 = arith.mulf %add3A_1024, %mul3A_1025 : vector<16xf32>
      %swap3A_1027 = arith.constant 16 : index
      %swap3A_1028 = tpu.vector_load %arg26[%swap3A_1027] {strides = array<i32>} : memref<32xf32, #tpu.memory_space<vmem>>, vector<16xf32>,
      tpu.vector_store %arg26[%swap3A_1027], %mul3A_1026 {strides = array<i32>} : memref<32xf32, #tpu.memory_space<vmem>>, vector<16xf32>,
      %mul3A_1029 = arith.constant 32 : i32
      %mul3A_1030 = arith.muli %arg1, %mul3A_1029 : i32
      %dma_start3A_1031 = tpu.memref_slice %arg11[%mul3A_1030] : memref<256xf32, #tpu.memory_space<hbm>> -> memref<32xf32, #tpu.memory_space<hbm>>
      %dma_start3A_1032 = tpu.memref_slice %arg11[%mul3A_1030] : memref<256xf32, #tpu.memory_space<hbm>> -> memref<32xf32, #tpu.memory_space<hbm>>
      tpu.enqueue_dma source(%arg26 : memref<32xf32, #tpu.memory_space<vmem>>) target(%dma_start3A_1032 : memref<32xf32, #tpu.memory_space<hbm>>) target_semaphore(%arg27 : memref<!tpu.dma_semaphore, #tpu.memory_space<semaphore_mem>>)
      %dma_wait3A_1033 = tpu.memref_slice %arg11[%mul3A_1030] : memref<256xf32, #tpu.memory_space<hbm>> -> memref<32xf32, #tpu.memory_space<hbm>>
      %dma_wait3A_1034 = tpu.memref_slice %arg11[%mul3A_1030] : memref<256xf32, #tpu.memory_space<hbm>> -> memref<32xf32, #tpu.memory_space<hbm>>
      tpu.wait_dma2 semaphore(%arg27 : memref<!tpu.dma_semaphore, #tpu.memory_space<semaphore_mem>>) src(%arg26 : memref<32xf32, #tpu.memory_space<vmem>>) dst(%dma_wait3A_1034 : memref<32xf32, #tpu.memory_space<hbm>>)
    } else {
    }
    return
  }
}

</mosaic_0001>

<sc_bundles>
// kernel: kernel.3.cloned.1.call-start
scs
__scs_entry_jumppad:
0x0: {  	(pc) =	sbr.rel $0x88, $3  }
0x1: {  	(tag) =	ssettag $0x0;
	lr =	simm.s32 $0x1  }
0x2: {  	[smem:$0x3F98] =	sst lr;
	_ =	strace $0xD0000000  }
0x3: {  	_ = 	snop  }
0x4: {  	_ = 	snop  }
0x5: {  	_ = 	snop  }
0x6: {  	_ = 	snop  }
0x7: {  	_ = 	snop  }
__scs_overlays_trampoline_lowered:
0x8: {  	[smem:$0x3FA7] =	sst s0  }
0x9: {  	[smem:$0x3FA8] =	sst s1  }
0xa: {  	[smem:$0x3FA9] =	sst s2  }
0xb: {  	[smem:$0x3FAA] =	sst s3  }
0xc: {  	[smem:$0x3FAB] =	sst s4  }
0xd: {  	[smem:$0x3FAC] =	sst s5  }
0xe: {  	[smem:$0x3FAD] =	sst s6  }
0xf: {  	[smem:$0x3FAE] =	sst s7  }
0x10: {  	[smem:$0x3FAF] =	sst s8  }
0x11: {  	[smem:$0x3FB0] =	sst s9;
	s0 =	simm.s32 @!p0 $0x0  }
0x12: {  	s1 =	sld [smem:$0x3F96];
	s0 =	simm.s32 @p0 $0x1  }
0x13: {  	[smem:$0x3FB1] =	sst s0;
	s0 =	simm.s32 @!p1 $0x0  }
0x14: {  	s2 =	sld [smem:$0x3F95];
	s0 =	simm.s32 @p1 $0x1  }
0x15: {  	[smem:$0x3FB2] =	sst s0;
	s0 =	simm.s32 @!p2 $0x0  }
0x16: {  	s3 =	sld [smem:$0x3FDB];
	s0 =	simm.s32 @p2 $0x1  }
0x17: {  	s4 =	simm.s32 $0x1BF5;
	[smem:$0x3FB4] =	sst s0  }
0x18: {  	s0 =	sld [smem:$0x3F97];
	_ =	swait.ge [sflag:s4], $0x0  }
0x19: {  	s7 =	sld [smem:$0x3F98]  }
0x1a: {  	s8 =	sadd.s32 $0xFFFFE003, lr  }
0x1b: {  	s9 =	sadd.s32 $0xFFFFFEF7, lr;
	s5 =	simm.s32 $0xFFFFFFFF;
	p2 =	slt.u32 s8, $0xFFFFF086  }
0x1c: {  	p1 =	slt.u32 s9, $0xF7A;
	s5 =	simm.s32 @!p2 $0x0  }
0x1d: {  	s5 =	simm.s32 @p1 $0x1;
	p0 =	seq.s32 s7, s2  }
0x1e: {  	s7 =	smul.u32 @!p0 $0xF7A, s2;
	p2 =	seq.s32 @!p0 s5, $0x0  }
0x1f: {  	s9 =	smul.u32 $0xF7A, s1;
	s8 =	simm.s32 @!p0 $0x1BF5;
	p2 =	por !p2, p0  }
0x20: {  	[sflag:s8] =	ssyncset.s32 @!p0 $0xFFFFF086;
	s6 =	sadd.s32 @!p0 s3, s7;
	s7 =	simm.s32 @!p0 $0x108  }
0x21: {  	s3 =	sadd.s32 s3, s9;
	s6 =	sadd.s32 @!p0 $0x88, s6;
	s7 =	simm.s32 @p2 $0x1082  }
0x22: {  	[simem:s7], [sflag:s8] =	dma.local @!p0 [hbm:s6], $0xF7A  }
0x23: {  	s9 =	sor.u32 $0xD0000000, s2;
	s6 =	simm.s32 $0x108;
	_ =	swait.ge @!p0 [sflag:s8], $0x0  }
0x24: {  	s3 =	sadd.s32 $0x88, s3;
	s6 =	simm.s32 @!p1 $0x1082;
	[sflag:s4] =	ssyncset.s32 $0xFFFFF086  }
0x25: {  	[simem:s6], [sflag:s4] =	dma.local [hbm:s3], $0xF7A  }
0x26: {  	[smem:$0x3F98] =	sst s1;
	(tag) =	ssettag s2;
	_ =	strace s9  }
0x27: {  	s1 =	sld [smem:$0x3FA8]  }
0x28: {  	s2 =	sld [smem:$0x3FA9]  }
0x29: {  	s4 =	sld [smem:$0x3FAB]  }
0x2a: {  	p0 =	seq.s32 s5, $0x0;
	s5 =	sld [smem:$0x3FAC]  }
0x2b: {  	s6 =	sld [smem:$0x3FAD]  }
0x2c: {  	s7 =	sld [smem:$0x3FAE]  }
0x2d: {  	s3 =	simm.s32 $0x108;
	s8 =	sld [smem:$0x3FAF]  }
0x2e: {  	s3 =	simm.s32 @!p0 $0x1082;
	s9 =	sld [smem:$0x3FB0]  }
0x2f: {  	lr =	sadd.s32 s0, s3;
	s0 =	sld [smem:$0x3FA7]  }
0x30: {  	s3 =	sld [smem:$0x3FAA]  }
0x31: {  	[smem:$0x3FB3] =	sst s10  }
0x32: {  	s10 =	sld [smem:$0x3FB1];
	_ =	sdelay $0x3  }
0x33: {  	p0 =	seq.s32 s10, $0x1;
	s10 =	sld [smem:$0x3FB3];
	_ =	sdelay $0x3  }
0x34: {  	[smem:$0x3FB3] =	sst s10  }
0x35: {  	s10 =	sld [smem:$0x3FB2];
	_ =	sdelay $0x3  }
0x36: {  	p1 =	seq.s32 s10, $0x1;
	s10 =	sld [smem:$0x3FB3];
	_ =	sdelay $0x3  }
0x37: {  	[smem:$0x3FB3] =	sst s10  }
0x38: {  	s10 =	sld [smem:$0x3FB4]  }
0x39: {  	_ = 	snop;
	(pc) =	sbr.ind lr, $3  }
0x3a: {  	_ = 	snop  }
0x3b: {  	_ = 	snop  }
0x3c: {  	p2 =	seq.s32 s10, $0x1;
	s10 =	sld [smem:$0x3FB3]  }
0x3d: {  	_ =	shalt  }
0x3e: {  	_ =	shalt  }
0x3f: {  	_ =	shalt  }
0x40: {  	_ =	shalt  }
0x41: {  	_ =	shalt  }
0x42: {  	_ =	shalt  }
0x43: {  	_ =	shalt  }
0x44: {  	_ =	shalt  }
0x45: {  	_ =	shalt  }
0x46: {  	_ =	shalt  }
0x47: {  	_ =	shalt  }
0x48: {  	_ =	shalt  }
0x49: {  	_ =	shalt  }
0x4a: {  	_ =	shalt  }
0x4b: {  	_ =	shalt  }
0x4c: {  	_ =	shalt  }
0x4d: {  	_ =	shalt  }
0x4e: {  	_ =	shalt  }
0x4f: {  	_ =	shalt  }
0x50: {  	_ =	shalt  }
0x51: {  	_ =	shalt  }
0x52: {  	_ =	shalt  }
0x53: {  	_ =	shalt  }
0x54: {  	_ =	shalt  }
0x55: {  	_ =	shalt  }
0x56: {  	_ =	shalt  }
0x57: {  	_ =	shalt  }
0x58: {  	_ =	shalt  }
0x59: {  	_ =	shalt  }
0x5a: {  	_ =	shalt  }
0x5b: {  	_ =	shalt  }
0x5c: {  	_ =	shalt  }
0x5d: {  	_ =	shalt  }
0x5e: {  	_ =	shalt  }
0x5f: {  	_ =	shalt  }
0x60: {  	_ =	shalt  }
0x61: {  	_ =	shalt  }
0x62: {  	_ =	shalt  }
0x63: {  	_ =	shalt  }
0x64: {  	_ =	shalt  }
0x65: {  	_ =	shalt  }
0x66: {  	_ =	shalt  }
0x67: {  	_ =	shalt  }
0x68: {  	_ =	shalt  }
0x69: {  	_ =	shalt  }
0x6a: {  	_ =	shalt  }
0x6b: {  	_ =	shalt  }
0x6c: {  	_ =	shalt  }
0x6d: {  	_ =	shalt  }
0x6e: {  	_ =	shalt  }
0x6f: {  	_ =	shalt  }
0x70: {  	_ =	shalt  }
0x71: {  	_ =	shalt  }
0x72: {  	_ =	shalt  }
0x73: {  	_ =	shalt  }
0x74: {  	_ =	shalt  }
0x75: {  	_ =	shalt  }
0x76: {  	_ =	shalt  }
0x77: {  	_ =	shalt  }
0x78: {  	_ =	shalt  }
0x79: {  	_ =	shalt  }
0x7a: {  	_ =	shalt  }
0x7b: {  	_ =	shalt  }
0x7c: {  	_ =	shalt  }
0x7d: {  	_ =	shalt  }
0x7e: {  	_ =	shalt  }
0x7f: {  	_ =	shalt  }
0x80: {  	_ =	shalt  }
0x81: {  	_ =	shalt  }
0x82: {  	_ =	shalt  }
0x83: {  	_ =	shalt  }
0x84: {  	_ =	shalt  }
0x85: {  	_ =	shalt  }
0x86: {  	_ =	shalt  }
0x87: {  	_ =	shalt  }
.Lfunc_end0:
.L_simem_size_0:
called_computation_lowered:
.L_overlay_start_0:
0x88: {  	s2 =	sld [smem:$0x3FD9]  }
0x89: {  	s3 =	sld [smem:$0x3FFE];
	_ =	sdelay $0x1  }
0x8a: {  	s1 =	srdreg.scid  }
0x8b: {  	s0 =	sand.u32 $0x1, s1  }
0x8c: {  	s30 =	sshll.u32 s0, $0xA;
	s2 =	sadd.s32 s3, s2  }
0x8d: {  	s2 =	sadd.s32 s2, s30  }
0x8e: {  	[smem:$0x3FBF] =	sst s2  }
0x8f: {  	_ = 	snop  }
0x90: {  	s2 =	sld [smem:$0x3FC9]  }
0x91: {  	s31 =	sld [smem:$0x3FC8]  }
0x92: {  	s4 =	sld [smem:$0x3FC7]  }
0x93: {  	s5 =	sld [smem:$0x3FC6]  }
0x94: {  	s6 =	sld [smem:$0x3FC5]  }
0x95: {  	s7 =	sld [smem:$0x3FC4]  }
0x96: {  	s8 =	sld [smem:$0x3FD0]  }
0x97: {  	s9 =	sld [smem:$0x3FC3]  }
0x98: {  	s10 =	sld [smem:$0x3FC2]  }
0x99: {  	s12 =	simm.s32 $0xA;
	s13 =	simm.s32 $0x10;
	s11 =	sld [smem:$0x3FC1]  }
0x9a: {  	[smem:s13], [sflag:s12] =	dma.local [hbm:s8], $0x1  }
0x9b: {  	_ =	swait.eq [sflag:s12], $0x1  }
0x9c: {  	[sflag:s12] =	ssyncset.done $0x0  }
0x9d: {  	[sflag:s12] =	ssyncadd.s32 $0xFFFFFFFF  }
0x9e: {  	s17 =	sld [smem:$0x10];
	(tm) =	ssettm $0x1  }
0x9f: {  	s18 =	sld [smem:$0x3FFB];
	_ =	sdelay $0x3  }
0xa0: {  	_ =	strace s18  }
0xa1: {  	s12 =	sld [smem:$0x3FFC];
	_ =	sdelay $0x3  }
0xa2: {  	_ =	strace s12  }
0xa3: {  	s12 =	sld [smem:$0x3FFD];
	_ =	sdelay $0x3  }
0xa4: {  	_ =	strace s12  }
0xa5: {  	_ =	strace $0x8FFFFFFF  }
0xa6: {  	s19 =	sld [smem:$0x3FDB];
	_ =	sdelay $0x1  }
0xa7: {  	s20 =	simm.s32 $_scs_section_size  }
0xa8: {  	s14 =	simm.s32 $_size__tile_overlayer_lowered;
	s15 =	simm.s32 $_tile_overlayer_lowered  }
0xa9: {  	s23 =	simm.s32 $0x1BFF;
	s22 =	sshll.u32 s15, $0x1;
	s12 =	sadd.s32 s20, s19  }
0xaa: {  	s16 =	simm.s32 $0x0;
	s21 =	sshll.u32 s14, $0x1;
	s14 =	sadd.s32 s22, s12  }
0xab: {  	[timem:s16], [sflag:s23] =	dma.local [hbm:s14], s21  }
0xac: {  	_ =	swait.ge [sflag:s23], s21  }
0xad: {  	s13 =	ssub.s32 $0x0, s21;
	[sflag:s23] =	ssyncset.done $0x0  }
0xae: {  	[sflag:s23] =	ssyncadd.s32 s13;
	_ =	sdelay $0x1  }
0xaf: {  	s24 =	simm.s32 $0x1B8B  }
0xb0: {  	_ =	swait.ge [sflag:s24], $0x1  }
0xb1: {  	[sflag:s24] =	ssyncset.done $0x0  }
0xb2: {  	s25 =	simm.s32 $0x1B8E;
	[sflag:s24] =	ssyncadd.s32 $0xFFFFFFFF  }
0xb3: {  	s26 =	simm.s32 $execute0_lowered;
	[smem:$0x3FD2] =	sst s25  }
0xb4: {  	s13 =	sshll.u32 s26, $0x1;
	_ =	strace $0x80000046;
	[dreg:$0x1] =	wrdreg $0xFFFFFFFF  }
0xb5: {  	s28 =	simm.s32 $_size_execute0_lowered;
	s12 =	sadd.s32 s12, s13;
	[dreg:$0x0] =	wrdreg $0x0  }
0xb6: {  	s13 =	sshll.u32 s28, $0x1;
	[dreg:$0x2] =	wrdreg s12  }
0xb7: {  	[dreg:$0x3] =	wrdreg s13  }
0xb8: {  	[dreg:$0x4] =	wrdreg $0xC0  }
0xb9: {  	_ =	task [dreg:s16], $0x5FFFF  }
0xba: {  	[dreg:$0x1] =	wrdreg $0xFFFFFFFF  }
0xbb: {  	[dreg:$0x0] =	wrdreg $0x60  }
0xbc: {  	[dreg:$0x2] =	wrdreg s2  }
0xbd: {  	[dreg:$0x3] =	wrdreg s31  }
0xbe: {  	[dreg:$0x4] =	wrdreg s4  }
0xbf: {  	[dreg:$0x5] =	wrdreg s5  }
0xc0: {  	[dreg:$0x6] =	wrdreg s6  }
0xc1: {  	[dreg:$0x7] =	wrdreg s7  }
0xc2: {  	[dreg:$0x8] =	wrdreg s9  }
0xc3: {  	[dreg:$0x9] =	wrdreg s10  }
0xc4: {  	[dreg:$0xa] =	wrdreg s11  }
0xc5: {  	[dreg:$0xb] =	wrdreg s17  }
0xc6: {  	[dreg:$0xc] =	wrdreg $0x9  }
0xc7: {  	_ =	task.clear_ibuf [dreg:s16], $0xDFFFF;
	_ =	strace $0x90000046  }
0xc8: {  	s29 =	simm.s32 $0x9;
	_ =	strace $0x80000048  }
0xc9: {  	_ =	swait.ge [sflag:s29], $0x1  }
0xca: {  	[sflag:s29] =	ssyncadd.s32 $0xFFFFFFFF  }
0xcb: {  	_ =	strace $0x90000048  }
0xcc: {  	_ =	sfence  }
0xcd: {  	s30 =	sld [smem:$0x0];
	_ =	sdelay $0x2  }
0xce: {  	s31 =	sshll.u32 s1, $0xD;
	s1 =	sshrl.u32 s1, $0x2  }
0xcf: {  	s3 =	sand.u32 $0x4000, s31;
	s1 =	sadd.s32 s1, s30  }
0xd0: {  	s0 =	sor.u32 s3, s0;
	s1 =	sshll.u32 s1, $0x11  }
0xd1: {  	s0 =	sor.u32 s1, s0  }
0xd2: {  	s0 =	sadd.s32 $0x8F2B, s0  }
0xd3: {  	[sflag:s0] =	ssyncadd.remote.s32 $0x1  }
0xd4: {  	_ =	sfence.sel $0xFFFF  }
0xd5: {  	[dreg:$0x0] =	wrdreg $0xFFFFFFFF;
	(pc) =	sbr.abs _section_cstart, $3  }
0xd6: {  	[dreg:$0x1] =	wrdreg $0xFFFFFFFF  }
0xd7: {  	_ =	task.clear_ibuf [dreg:s16], $0x2FFFF;
	_ =	strace $0x9FFFFFFF  }
0xd8: {  	(tm) =	ssettm $0x7FFFFFFF  }
0xd9: {  	_ =	shalt  }
tec
execute0_lowered:
.L_overlay_start_1:
0x0: {  	(tag) =	ssettag $0x1  }
0x1: {  	s4 =	rddreg [dreg:$0x0]  }
0x2: {  	s7 =	rddreg [dreg:$0x1]  }
0x3: {  	s6 =	rddreg [dreg:$0x2];
	s0 =	srdreg.scid  }
0x4: {  	s5 =	rddreg [dreg:$0x3];
	s0 =	sand.u32 $0x1, s0  }
0x5: {  	s8 =	rddreg [dreg:$0x4];
	s1 =	stileid.u32;
	p0 =	seq.s32 s0, $0x1  }
0x6: {  	s12 =	rddreg [dreg:$0x5];
	p1 =	sgt.u32 @!p0 s1, $0x7  }
0x7: {  	s11 =	rddreg [dreg:$0x6];
	p0 =	por p0, p1  }
.Ltmp0:
0x8: {  	s10 =	rddreg [dreg:$0x7];
	(pc) =	sbr.rel @p0 .LBB2_2-.Ltmp0, $4  }
0x9: {  	s9 =	rddreg [dreg:$0x8]  }
0xa: {  	s2 =	rddreg [dreg:$0x9];
	s3 =	simm.s32 $0x0  }
0xb: {  	[smem:$0x7FF] =	sst s3  }
0xc: {  	s0 =	rddreg [dreg:$0xa];
	_ =	strace $0x80000047  }
0xd: {  	v0 =	vimm.f32 $1.023000000e+03  }
0xe: {  	(erf) = vrcp.f32 v0;
	_ =	sdelay $0x2  }
0xf: {  	[tilespmem:s3], [sflag:$0x1] =	stream.linear.gather [hbm4b:s4+s3], $0x80, $0x38;
	[tilespmem:$0x4680] =	vst v63  }
0x10: {  	s31 =	simm.s32 $0x1E00  }
0x11: {  	[tilespmem:s31], [sflag:$0x2] =	stream.linear.gather [hbm4b:s12+s3], $0x800, $0x38;
	[tilespmem:$0x4680] =	vst v63  }
0x12: {  	s13 =	simm.s32 $0x2600  }
0x13: {  	v2 =	vlaneseq.u32;
	[tilespmem:s13], [sflag:$0x2] =	stream.linear.gather [hbm4b:s11+s3], $0x1000, $0x38;
	[tilespmem:$0x4680] =	vst v63  }
0x14: {  	s14 =	simm.s32 $0x3600;
	s4 =	simm.s32 $0x1;
	v1 =	vadd.s32 $0x5, v2  }
0x15: {  	v3 =	vadd.s32 $0x3, v2;
	[tilespmem:s14], [sflag:$0x2] =	stream.linear.gather [hbm4b:s10+s3], $0x1000, $0x38;
	v0 =	vpop (erf);
	[tilespmem:$0x4680] =	vst v63  }
0x16: {  	_ =	swait.ge [sflag:s4], $0x80  }
0x17: {  	[sflag:s4] =	ssyncset.done $0x0  }
0x18: {  	v4 =	vimm.s32 $0x14131211;
	v5 =	vimm.s32 $0x43362926;
	[sflag:s4] =	ssyncadd.s32 $0xFFFFFF80  }
0x19: {  	v6 =	vimm.s32 $0x18171615;
	v7 =	vimm.s32 $0x776A5D50;
	v8 =	vimm.s32 $0xF0C0400;
	v1 =	vld.idx.msk [tilespmem:v1+s3+$0x0], $0xffff  }
0x1a: {  	v9 =	vimm.s32 $0x231E1512;
	vm0 =	vcmask $0xF00;
	v5 =	vunpack.c.0.s8.s32 v5;
	v3 =	vld.idx.msk [tilespmem:v3+s3+$0x0], $0xffff  }
0x1b: {  	v7 =	vunpack.c.0.s8.s32 v7;
	v8 =	vunpack.c.0.s8.s32 v8;
	v9 =	vunpack.c.0.s8.s32 v9  }
0x1c: {  	vm1 =	vcmask $0x1F10;
	v10 =	vimm.s32 $0x1C1B1A19;
	vm2 =	vmmov $0x1ff  }
0x1d: {  	vm10 =	vcmask $0x2F20;
	v5 =	vsel vm1, v7, v5;
	v14 =	vsel vm1, v9, v8  }
0x1e: {  	v4 =	vunpack.c.0.s8.s32 v4;
	v5 =	vcombine.low v14, v5;
	v1 =	vadd.s32 $0x6, v1  }
0x1f: {  	v6 =	vunpack.c.0.s8.s32 v6;
	v15 =	vunpack.c.0.s8.s32 v10;
	v1 =	vsel vm2, v3, v1  }
0x20: {  	v21 =	vand.u32 $0x7, v2;
	v4 =	vnsel vm0, $0x1C, v4;
	v17 =	vadd.s32 v5, v1  }
0x21: {  	v19 =	vnsel vm0, $0x1C, v6;
	v16 =	vsel vm1, v6, v4;
	v5 =	vshll.u32 v17, $0x1  }
0x22: {  	v18 =	vsel vm10, v15, v16;
	v20 =	vand.u32 $0x7, v17;
	v5 =	vand.u32 $0xFFFFFFF0, v5  }
0x23: {  	v22 =	vshrl.u32 v2, $0x3;
	v3 =	vsel vm1, v15, v19;
	v5 =	vor.u32 v20, v5  }
0x24: {  	v7 =	vmul.u32 $0x8, v22;
	v23 =	vperm.xlane v5, v21  }
0x25: {  	v24 =	vor.u32 $0x8, v2  }
0x26: {  	v5 =	vperm.xlane v5, v24;
	v8 =	vadd.s32 v7, v23  }
0x27: {  	v25 =	vld.idx.msk [tilespmem:v18+s3+$0x0], $0xffff  }
0x28: {  	v1 =	vld.idx.msk [tilespmem:v3+s3+$0x0], $0xffff;
	v26 =	vadd.s32 v7, v5;
	_ =	sdelay $0x1  }
0x29: {  	vm11 =	vmmov $0xffff;
	s15 =	simm.s32 $0x300;
	v27 =	vld.idx.msk [tilespmem:v2+s3+$0x0], $0xffff;
	[tilespmem:$0x80] =	vst v17  }
0x2a: {  	[tilespmem:s15], [sflag:$0x2] =	stream.indirect_vreg.gather [hbm4b:s9+s3], $0x80, v8, vm11, $0xb8;
	[tilespmem:$0x4680] =	vst v63  }
0x2b: {  	s16 =	simm.s32 $0xB00;
	vm12 =	vmmov $0xf;
	v46 =	vadd.s32 $0x400, v25  }
0x2c: {  	v47 =	vsel vm12, v1, v46;
	[tilespmem:s16], [sflag:$0x2] =	stream.indirect_vreg.gather [hbm4b:s9+s3], $0x80, v26, vm11, $0xb8;
	[tilespmem:$0x4680] =	vst v63  }
0x2d: {  	[tilespmem:$0x100] =	vst v47  }
0x2e: {  	v3 =	vld.msk [tilespmem:$0x100], $0xff;
	_ =	sdelay $0x4  }
0x2f: {  	v48 =	vshll.u32 v3, $0x1  }
0x30: {  	v3 =	vand.u32 $0x7, v3;
	v4 =	vand.u32 $0xFFFFFFF0, v48  }
0x31: {  	v3 =	vor.u32 v3, v4  }
0x32: {  	v3 =	vperm.xlane v3, v21;
	_ =	sdelay $0x1  }
0x33: {  	v3 =	vadd.s32 v7, v3;
	_ =	sdelay $0x3  }
0x34: {  	s17 =	simm.s32 $0x1300  }
0x35: {  	[tilespmem:s17], [sflag:$0x2] =	stream.indirect_vreg.gather [hbm4b:s8+s3], $0x80, v3, vm11, $0xb8;
	[tilespmem:$0x4680] =	vst v63  }
0x36: {  	[tilespmem:$0x180] =	vst v27  }
0x37: {  	v3 =	vld.msk [tilespmem:$0x180], $0x1;
	_ =	sdelay $0x4  }
0x38: {  	v49 =	vshll.u32 v3, $0x1  }
0x39: {  	v3 =	vand.u32 $0x7, v3;
	v4 =	vand.u32 $0xFFFFFFF0, v49  }
0x3a: {  	v50 =	vimm.s32 $0x0;
	v3 =	vor.u32 v3, v4  }
0x3b: {  	v51 =	vmul.u32 $0x8, v2;
	v3 =	vperm.xlane v3, v50;
	_ =	sdelay $0x1  }
0x3c: {  	v3 =	vadd.s32 v51, v3  }
0x3d: {  	v52 =	vadd.s32 $0x1, v2;
	_ =	sdelay $0x2  }
0x3e: {  	vm13 =	vmmov $0x3;
	s18 =	simm.s32 $0x1B00  }
0x3f: {  	[tilespmem:s18], [sflag:$0x2] =	stream.indirect_vreg.gather [hbm4b:s7+s3], $0x80, v3, vm13, $0xb8;
	[tilespmem:$0x4680] =	vst v63  }
0x40: {  	v3 =	vld.idx.msk [tilespmem:v52+s3+$0x0], $0xffff;
	_ =	sdelay $0x4  }
0x41: {  	[tilespmem:$0x200] =	vst v3  }
0x42: {  	v3 =	vld.msk [tilespmem:$0x200], $0x1;
	_ =	sdelay $0x4  }
0x43: {  	v53 =	vshll.u32 v3, $0x1  }
0x44: {  	v3 =	vand.u32 $0x7, v3;
	v7 =	vand.u32 $0xFFFFFFF0, v53  }
0x45: {  	v3 =	vor.u32 v3, v7  }
0x46: {  	v3 =	vperm.xlane v3, v50;
	_ =	sdelay $0x1  }
0x47: {  	v3 =	vadd.s32 v51, v3  }
0x48: {  	v54 =	vadd.s32 $0x2, v2;
	_ =	sdelay $0x2  }
0x49: {  	s19 =	simm.s32 $0x1C00  }
0x4a: {  	[tilespmem:s19], [sflag:$0x2] =	stream.indirect_vreg.gather [hbm4b:s6+s3], $0x80, v3, vm13, $0xb8;
	[tilespmem:$0x4680] =	vst v63  }
0x4b: {  	v3 =	vld.idx.msk [tilespmem:v54+s3+$0x0], $0xffff;
	_ =	sdelay $0x4  }
0x4c: {  	(v2sf) =	vpush v27, $0x0;
	[tilespmem:$0x280] =	vst v3  }
0x4d: {  	v3 =	vld.msk [tilespmem:$0x280], $0x1;
	_ =	sdelay $0x4  }
0x4e: {  	v55 =	vshll.u32 v3, $0x1  }
0x4f: {  	v3 =	vand.u32 $0x7, v3;
	v7 =	vand.u32 $0xFFFFFFF0, v55  }
0x50: {  	v3 =	vor.u32 v3, v7  }
0x51: {  	v3 =	vperm.xlane v3, v50;
	_ =	sdelay $0x1  }
0x52: {  	v3 =	vadd.s32 v51, v3  }
0x53: {  	v56 =	vadd.s32 $0xB, v2;
	_ =	sdelay $0x2  }
0x54: {  	s20 =	simm.s32 $0x1D00;
	s7 =	spop (v2sf);
	s18 =	simm.s32 $0x2  }
0x55: {  	[tilespmem:s20], [sflag:$0x2] =	stream.indirect_vreg.gather [hbm4b:s5+s3], $0x80, v3, vm13, $0xb8;
	[tilespmem:$0x4680] =	vst v63  }
0x56: {  	v3 =	vld.idx.msk [tilespmem:v56+s3+$0x0], $0xffff;
	_ =	swait.ge [sflag:s18], $0x800  }
0x57: {  	[sflag:s18] =	ssyncset.done $0x0  }
0x58: {  	[sflag:s18] =	ssyncadd.s32 $0xFFFFF800  }
0x59: {  	_ =	swait.ge [sflag:s18], $0x1000  }
0x5a: {  	[sflag:s18] =	ssyncset.done $0x0  }
0x5b: {  	[sflag:s18] =	ssyncadd.s32 $0xFFFFF000  }
0x5c: {  	s21 =	sshll.u32 s1, $0x8;
	s5 =	sshll.u32 s1, $0x5;
	_ =	swait.ge [sflag:s18], $0x1000  }
0x5d: {  	s15 =	sand.u32 $0x400, s21;
	s14 =	sand.u32 $0x60, s5;
	[sflag:s18] =	ssyncset.done $0x0  }
0x5e: {  	s11 =	sor.u32 s14, s15;
	[sflag:s18] =	ssyncadd.s32 $0xFFFFF000  }
0x5f: {  	v57 =	vld [tilespmem:s11+$0x1E00]  }
0x60: {  	v58 =	vld [tilespmem:s11+$0x1E80]  }
0x61: {  	v59 =	vld [tilespmem:s11+$0x1F00]  }
0x62: {  	v60 =	vld [tilespmem:s11+$0x1F80]  }
0x63: {  	s22 =	sor.u32 s21, s14;
	v61 =	vld [tilespmem:s11+$0x2000]  }
0x64: {  	s12 =	sor.u32 $0x300, s22;
	v62 =	vld [tilespmem:s11+$0x2080]  }
0x65: {  	v11 =	vld [tilespmem:s12+$0x1E00]  }
0x66: {  	v12 =	vld [tilespmem:s11+$0x2600]  }
0x67: {  	v13 =	vld [tilespmem:s11+$0x2680]  }
0x68: {  	v15 =	vbroadcast v27, $0xC;
	v14 =	vld [tilespmem:s11+$0x2700]  }
0x69: {  	v22 =	vld [tilespmem:s11+$0x2780]  }
0x6a: {  	v15 =	vshrl.u32 v15, v2;
	v31 =	vld [tilespmem:s11+$0x2800]  }
0x6b: {  	v15 =	vand.u32 $0x1, v15;
	v33 =	vld [tilespmem:s11+$0x2880]  }
0x6c: {  	v20 =	vcvt.s32.f32 v15;
	s16 =	sor.u32 $0x800, s15;
	s13 =	sor.u32 $0x380, s22;
	v34 =	vld [tilespmem:s12+$0x2600]  }
0x6d: {  	s17 =	sor.u32 $0x880, s15;
	s20 =	sor.u32 s14, s16;
	v36 =	vld [tilespmem:s13+$0x2600]  }
0x6e: {  	v15 =	vbroadcast v20, $0x0;
	s19 =	sor.u32 s14, s17;
	v37 =	vld [tilespmem:s20+$0x2600]  }
0x6f: {  	v40 =	vld [tilespmem:s19+$0x2600]  }
0x70: {  	v16 =	vbroadcast v20, $0x1;
	v41 =	vld [tilespmem:s11+$0x3600];
	v4 =	vmul.f32 v57, v15  }
0x71: {  	v42 =	vld [tilespmem:s11+$0x3680]  }
0x72: {  	v17 =	vbroadcast v20, $0x2;
	v43 =	vld [tilespmem:s11+$0x3700];
	v6 =	vmul.f32 v58, v16;
	v4 =	vadd.f32 $0.0e+00, v4  }
0x73: {  	v44 =	vld [tilespmem:s11+$0x3780]  }
0x74: {  	v18 =	vbroadcast v20, $0x3;
	v46 =	vld [tilespmem:s11+$0x3800];
	v63 =	vmul.f32 v59, v17;
	v4 =	vadd.f32 v6, v4  }
0x75: {  	v19 =	vbroadcast v20, $0x4;
	v48 =	vld [tilespmem:s11+$0x3880]  }
0x76: {  	v5 =	vbroadcast v27, $0xD;
	v53 =	vld [tilespmem:s12+$0x3600];
	v8 =	vmul.f32 v60, v18;
	v4 =	vadd.f32 v63, v4  }
0x77: {  	v23 =	vbroadcast v20, $0x5;
	s6 =	sor.u32 $0x10, s14;
	v54 =	vld [tilespmem:s13+$0x3600]  }
0x78: {  	v2 =	vshrl.u32 v5, v2;
	s8 =	sor.u32 s15, s6;
	v55 =	vld [tilespmem:s20+$0x3600];
	v9 =	vmul.f32 v61, v19;
	v4 =	vadd.f32 v8, v4  }
0x79: {  	v24 =	vbroadcast v20, $0x6;
	v2 =	vand.u32 $0x1, v2;
	v56 =	vld [tilespmem:s8+$0x1E00]  }
0x7a: {  	v2 =	vcvt.s32.f32 v2;
	v51 =	vld [tilespmem:s8+$0x1E80];
	v10 =	vmul.f32 v62, v23;
	v4 =	vadd.f32 v9, v4  }
0x7b: {  	v52 =	vld [tilespmem:s8+$0x1F00]  }
0x7c: {  	v25 =	vbroadcast v2, $0x0;
	v50 =	vld [tilespmem:s8+$0x1F80];
	v11 =	vmul.f32 v11, v24;
	v4 =	vadd.f32 v10, v4  }
0x7d: {  	s23 =	sor.u32 s21, s6;
	v49 =	vld [tilespmem:s8+$0x2000]  }
0x7e: {  	v26 =	vbroadcast v2, $0x1;
	s9 =	sor.u32 $0x300, s23;
	v47 =	vld [tilespmem:s8+$0x2080];
	v12 =	vmul.f32 v12, v25;
	v4 =	vadd.f32 v11, v4  }
0x7f: {  	v45 =	vld [tilespmem:s9+$0x1E00]  }
0x80: {  	v20 =	vbroadcast v2, $0x2;
	v35 =	vld [tilespmem:s8+$0x2600];
	v13 =	vmul.f32 v13, v26;
	v4 =	vadd.f32 v12, v4  }
0x81: {  	v32 =	vld [tilespmem:s8+$0x2680]  }
0x82: {  	v27 =	vbroadcast v2, $0x3;
	v28 =	vld [tilespmem:s8+$0x2700];
	v14 =	vmul.f32 v14, v20;
	v4 =	vadd.f32 v13, v4  }
0x83: {  	vm14 =	vcmask $0xB08;
	v29 =	vbroadcast v2, $0x4;
	v30 =	vld [tilespmem:s8+$0x2780]  }
0x84: {  	vm15 =	vcmask $0x3F0C;
	v21 =	vld [tilespmem:s8+$0x2800];
	v38 =	vmul.f32 v22, v27;
	v4 =	vadd.f32 v14, v4  }
0x85: {  	v7 =	vld [tilespmem:s8+$0x3700];
	v39 =	vmul.f32 v31, v29;
	v31 =	vbroadcast v2, $0x5;
	v57 =	vimm.f32 $9.999999770e-03  }
0x86: {  	v3 =	vcvt.s32.f32 v3;
	v5 =	vld [tilespmem:s8+$0x3880];
	v6 =	vsel vm14, $0x3A802008, v57;
	v4 =	vadd.f32 v38, v4  }
0x87: {  	v22 =	vld [tilespmem:s8+$0x2880];
	v58 =	vmul.f32 v33, v31;
	v6 =	vsel vm15, $0x3F000000, v6  }
0x88: {  	v33 =	vbroadcast v2, $0x6;
	v57 =	vmul.f32 v6, v3;
	v6 =	vld [tilespmem:s8+$0x3800];
	v4 =	vadd.f32 v39, v4  }
0x89: {  	v3 =	vld [tilespmem:s9+$0x3600]  }
0x8a: {  	v59 =	vmul.f32 v34, v33;
	v34 =	vbroadcast v2, $0x7;
	v8 =	vld [tilespmem:s8+$0x3780];
	v4 =	vadd.f32 v58, v4  }
0x8b: {  	v9 =	vld [tilespmem:s8+$0x3680]  }
0x8c: {  	s17 =	sor.u32 s6, s17;
	v60 =	vmul.f32 v36, v34;
	v10 =	vld [tilespmem:s8+$0x3600];
	v38 =	vbroadcast v2, $0x8;
	v4 =	vadd.f32 v59, v4  }
0x8d: {  	s16 =	sor.u32 s6, s16;
	v11 =	vld [tilespmem:s17+$0x2600]  }
0x8e: {  	s10 =	sor.u32 $0x380, s23;
	v12 =	vld [tilespmem:s16+$0x2600];
	v61 =	vmul.f32 v37, v38;
	v39 =	vbroadcast v2, $0x9;
	v4 =	vadd.f32 v60, v4  }
0x8f: {  	v13 =	vld [tilespmem:s10+$0x2600]  }
0x90: {  	v14 =	vld [tilespmem:s9+$0x2600];
	v62 =	vmul.f32 v40, v39;
	v40 =	vbroadcast v57, $0x1;
	v36 =	vadd.f32 v61, v4  }
0x91: {  	v2 =	vld [tilespmem:s16+$0x3600]  }
0x92: {  	v41 =	vmul.f32 v41, v40;
	v4 =	vld [tilespmem:s10+$0x3600];
	_ =	swait.ge [sflag:s18], $0x1000;
	v37 =	vadd.f32 v62, v36;
	v36 =	vbroadcast v57, $0x2  }
0x93: {  	[sflag:s18] =	ssyncset.done $0x0  }
0x94: {  	[sflag:s18] =	ssyncadd.s32 $0xFFFFF000;
	v41 =	vadd.f32 v41, v37;
	v42 =	vmul.f32 v42, v36;
	v37 =	vbroadcast v57, $0x3  }
0x95: {  	_ =	swait.ge [sflag:s18], $0x800  }
0x96: {  	[sflag:s18] =	ssyncset.done $0x0;
	v42 =	vadd.f32 v42, v41;
	v43 =	vmul.f32 v43, v37;
	v41 =	vbroadcast v57, $0x4  }
0x97: {  	[sflag:s18] =	ssyncadd.s32 $0xFFFFF800  }
0x98: {  	_ =	swait.ge [sflag:s18], $0x100;
	v43 =	vadd.f32 v43, v42;
	v44 =	vmul.f32 v44, v41;
	v42 =	vbroadcast v57, $0x5  }
0x99: {  	[sflag:s18] =	ssyncset.done $0x0  }
0x9a: {  	[sflag:s18] =	ssyncadd.s32 $0xFFFFFF00;
	v44 =	vadd.f32 v44, v43;
	v46 =	vmul.f32 v46, v42;
	v43 =	vbroadcast v57, $0x6  }
0x9b: {  	_ =	swait.ge [sflag:s18], $0x100  }
0x9c: {  	[sflag:s18] =	ssyncset.done $0x0;
	v46 =	vadd.f32 v46, v44;
	v48 =	vmul.f32 v48, v43;
	v44 =	vbroadcast v57, $0x7  }
0x9d: {  	[sflag:s18] =	ssyncadd.s32 $0xFFFFFF00  }
0x9e: {  	_ =	swait.ge [sflag:s18], $0x100;
	v48 =	vadd.f32 v48, v46;
	v53 =	vmul.f32 v53, v44;
	v46 =	vbroadcast v57, $0x8  }
0x9f: {  	[sflag:s18] =	ssyncset.done $0x0  }
0xa0: {  	[sflag:s18] =	ssyncadd.s32 $0xFFFFFF00;
	v53 =	vadd.f32 v53, v48;
	v54 =	vmul.f32 v54, v46;
	v48 =	vbroadcast v57, $0x9  }
0xa1: {  	v63 =	vld [tilespmem:s11+$0x300]  }
0xa2: {  	v53 =	vadd.f32 v54, v53;
	v59 =	vmul.f32 v55, v48  }
0xa3: {  	v60 =	vld [tilespmem:s11+$0x380]  }
0xa4: {  	v53 =	vadd.f32 v59, v53  }
0xa5: {  	v61 =	vld [tilespmem:s11+$0x400]  }
0xa6: {  	v53 =	vadd.f32 v63, v53  }
0xa7: {  	v62 =	vld [tilespmem:s11+$0x480]  }
0xa8: {  	v53 =	vadd.f32 v60, v53  }
0xa9: {  	v63 =	vld [tilespmem:s11+$0x500]  }
0xaa: {  	v53 =	vadd.f32 v61, v53  }
0xab: {  	v60 =	vld [tilespmem:s11+$0x580]  }
0xac: {  	v53 =	vadd.f32 v62, v53  }
0xad: {  	v61 =	vld [tilespmem:s12+$0x300]  }
0xae: {  	v15 =	vmul.f32 v56, v15;
	v53 =	vadd.f32 v63, v53  }
0xaf: {  	v62 =	vld [tilespmem:s13+$0x300]  }
0xb0: {  	v16 =	vmul.f32 v51, v16;
	v15 =	vadd.f32 $0.0e+00, v15;
	v53 =	vadd.f32 v60, v53  }
0xb1: {  	v57 =	vld [tilespmem:s20+$0x300]  }
0xb2: {  	v15 =	vadd.f32 v16, v15;
	v63 =	vmul.f32 v52, v17;
	v58 =	vadd.f32 v61, v53  }
0xb3: {  	s24 =	sadd.s32 $0xC00, s15;
	v60 =	vld [tilespmem:s19+$0x300]  }
0xb4: {  	s25 =	sor.u32 s14, s24;
	v59 =	vmul.f32 v50, v18;
	v15 =	vadd.f32 v63, v15;
	v61 =	vadd.f32 v62, v58  }
0xb5: {  	s26 =	sadd.s32 $0xC80, s15;
	v63 =	vld [tilespmem:s25+$0x0]  }
0xb6: {  	s21 =	sor.u32 s14, s26;
	v15 =	vadd.f32 v59, v15;
	v62 =	vmul.f32 v49, v19;
	v17 =	vadd.f32 v57, v61  }
0xb7: {  	s28 =	sadd.s32 $0xD00, s15;
	v49 =	vld [tilespmem:s21+$0x0]  }
0xb8: {  	s22 =	sor.u32 s14, s28;
	v47 =	vmul.f32 v47, v23;
	v15 =	vadd.f32 v62, v15;
	v17 =	vadd.f32 v60, v17  }
0xb9: {  	s29 =	sadd.s32 $0xD80, s15;
	v51 =	vld [tilespmem:s22+$0x0]  }
0xba: {  	s23 =	sor.u32 s14, s29;
	v50 =	vmul.f32 v45, v24;
	v15 =	vadd.f32 v47, v15;
	v17 =	vadd.f32 v63, v17  }
0xbb: {  	s30 =	sadd.s32 $0xE00, s15;
	v53 =	vld [tilespmem:s23+$0x0]  }
0xbc: {  	s31 =	sor.u32 s14, s30;
	v52 =	vmul.f32 v35, v25;
	v15 =	vadd.f32 v50, v15;
	v17 =	vadd.f32 v49, v17  }
0xbd: {  	s15 =	sadd.s32 $0xE80, s15;
	v54 =	vld [tilespmem:s31+$0x0]  }
0xbe: {  	s14 =	sor.u32 s14, s15;
	v55 =	vmul.f32 v32, v26;
	v15 =	vadd.f32 v52, v15;
	v17 =	vadd.f32 v51, v17  }
0xbf: {  	v56 =	vld [tilespmem:s14+$0x0]  }
0xc0: {  	v57 =	vmul.f32 v28, v20;
	v15 =	vadd.f32 v55, v15;
	v17 =	vadd.f32 v53, v17  }
0xc1: {  	v59 =	vld [tilespmem:s11+$0x1300]  }
0xc2: {  	v58 =	vmul.f32 v30, v27;
	v15 =	vadd.f32 v57, v15;
	v17 =	vadd.f32 v54, v17  }
0xc3: {  	v61 =	vld [tilespmem:s11+$0x1380]  }
0xc4: {  	v60 =	vmul.f32 v21, v29;
	v15 =	vadd.f32 v58, v15;
	v17 =	vadd.f32 v56, v17  }
0xc5: {  	v1 =	vcvt.s32.f32 v1;
	v63 =	vld [tilespmem:s11+$0x1400]  }
0xc6: {  	v62 =	vmul.f32 v22, v31;
	v22 =	vld [tilespmem:s11+$0x1500];
	v15 =	vadd.f32 v60, v15;
	v17 =	vadd.f32 v59, v17  }
0xc7: {  	v0 =	vmul.f32 v1, v0;
	v21 =	vld [tilespmem:s11+$0x1480]  }
0xc8: {  	v14 =	vmul.f32 v14, v33;
	v15 =	vadd.f32 v62, v15;
	v23 =	vadd.f32 v61, v17  }
0xc9: {  	v13 =	vmul.f32 v13, v34;
	v24 =	vld [tilespmem:s11+$0x1580]  }
0xca: {  	v25 =	vbroadcast v0, $0x4;
	v14 =	vadd.f32 v14, v15;
	v1 =	vadd.f32 v63, v23  }
0xcb: {  	v12 =	vmul.f32 v12, v38;
	v26 =	vld [tilespmem:s12+$0x1300];
	v28 =	vbroadcast v0, $0x5  }
0xcc: {  	v27 =	vmul.f32 v22, v25;
	v13 =	vadd.f32 v13, v14;
	v1 =	vadd.f32 v21, v1  }
0xcd: {  	v11 =	vmul.f32 v11, v39;
	v31 =	vbroadcast v0, $0x6;
	v29 =	vld [tilespmem:s13+$0x1300]  }
0xce: {  	v30 =	vmul.f32 v24, v28;
	v12 =	vadd.f32 v12, v13;
	v1 =	vadd.f32 v27, v1  }
0xcf: {  	v10 =	vmul.f32 v10, v40;
	v0 =	vbroadcast v0, $0x7  }
0xd0: {  	v32 =	vmul.f32 v26, v31;
	v11 =	vadd.f32 v11, v12;
	v1 =	vadd.f32 v30, v1  }
0xd1: {  	v9 =	vmul.f32 v9, v36;
	v33 =	vld [tilespmem:s5+$0x1B00]  }
0xd2: {  	v34 =	vmul.f32 v29, v0;
	v10 =	vadd.f32 v10, v11;
	v1 =	vadd.f32 v32, v1  }
0xd3: {  	v35 =	vld [tilespmem:s5+$0x1C00]  }
0xd4: {  	v7 =	vmul.f32 v7, v37;
	v9 =	vadd.f32 v9, v10;
	v1 =	vadd.f32 v34, v1  }
0xd5: {  	v36 =	vld [tilespmem:s5+$0x1D00]  }
0xd6: {  	v8 =	vmul.f32 v8, v41;
	v7 =	vadd.f32 v7, v9;
	v1 =	vadd.f32 v1, v33;
	_ =	sdelay $0x1  }
0xd7: {  	v6 =	vmul.f32 v6, v42;
	v7 =	vadd.f32 v8, v7;
	v1 =	vadd.f32 v1, v35;
	_ =	sdelay $0x1  }
0xd8: {  	p0 =	slt.u32 s7, $0x2;
	s7 =	simm.f32 $0.0e+00;
	v5 =	vmul.f32 v5, v43;
	v6 =	vadd.f32 v6, v7;
	v1 =	vadd.f32 v1, v36  }
0xd9: {  	s7 =	simm.s32 @!p0 $0x3F800000  }
0xda: {  	v3 =	vmul.f32 v3, v44;
	v5 =	vadd.f32 v5, v6;
	v1 =	vmul.f32 s7, v1;
	_ =	sdelay $0x1  }
0xdb: {  	v4 =	vmul.f32 v4, v46;
	v3 =	vadd.f32 v3, v5;
	[tilespmem:$0x4600] =	vst v1  }
0xdc: {  	v1 =	vld [tilespmem:s8+$0x300]  }
0xdd: {  	v2 =	vmul.f32 v2, v48;
	v3 =	vadd.f32 v4, v3  }
0xde: {  	v37 =	vld [tilespmem:s8+$0x380]  }
0xdf: {  	v2 =	vadd.f32 v2, v3  }
0xe0: {  	v38 =	vld [tilespmem:s8+$0x400]  }
0xe1: {  	v1 =	vadd.f32 v1, v2  }
0xe2: {  	v39 =	vld [tilespmem:s8+$0x480]  }
0xe3: {  	v1 =	vadd.f32 v37, v1  }
0xe4: {  	v40 =	vld [tilespmem:s8+$0x500]  }
0xe5: {  	v1 =	vadd.f32 v38, v1  }
0xe6: {  	v41 =	vld [tilespmem:s8+$0x580]  }
0xe7: {  	v1 =	vadd.f32 v39, v1  }
0xe8: {  	v42 =	vld [tilespmem:s9+$0x300]  }
0xe9: {  	v1 =	vadd.f32 v40, v1  }
0xea: {  	v43 =	vld [tilespmem:s10+$0x300]  }
0xeb: {  	v1 =	vadd.f32 v41, v1  }
0xec: {  	v44 =	vld [tilespmem:s16+$0x300]  }
0xed: {  	v1 =	vadd.f32 v42, v1  }
0xee: {  	v45 =	vld [tilespmem:s17+$0x300]  }
0xef: {  	s23 =	sor.u32 s6, s24;
	v1 =	vadd.f32 v43, v1  }
0xf0: {  	v46 =	vld [tilespmem:s23+$0x0]  }
0xf1: {  	s24 =	sor.u32 s6, s26;
	v1 =	vadd.f32 v44, v1  }
0xf2: {  	v47 =	vld [tilespmem:s24+$0x0]  }
0xf3: {  	s25 =	sor.u32 s6, s28;
	v1 =	vadd.f32 v45, v1  }
0xf4: {  	v48 =	vld [tilespmem:s25+$0x0]  }
0xf5: {  	s26 =	sor.u32 s6, s29;
	v1 =	vadd.f32 v46, v1  }
0xf6: {  	v49 =	vld [tilespmem:s26+$0x0]  }
0xf7: {  	s28 =	sor.u32 s6, s30;
	v1 =	vadd.f32 v47, v1  }
0xf8: {  	v50 =	vld [tilespmem:s28+$0x0]  }
0xf9: {  	s29 =	sor.u32 s6, s15;
	v1 =	vadd.f32 v48, v1  }
0xfa: {  	v51 =	vld [tilespmem:s29+$0x0]  }
0xfb: {  	v1 =	vadd.f32 v49, v1  }
0xfc: {  	v52 =	vld [tilespmem:s8+$0x1300]  }
0xfd: {  	v1 =	vadd.f32 v50, v1  }
0xfe: {  	v53 =	vld [tilespmem:s8+$0x1380]  }
0xff: {  	v1 =	vadd.f32 v51, v1  }
0x100: {  	v54 =	vld [tilespmem:s8+$0x1400]  }
0x101: {  	v55 =	vld [tilespmem:s8+$0x1480];
	v1 =	vadd.f32 v52, v1  }
0x102: {  	v56 =	vld [tilespmem:s8+$0x1500]  }
0x103: {  	v1 =	vadd.f32 v53, v1  }
0x104: {  	v57 =	vld [tilespmem:s8+$0x1580]  }
0x105: {  	v1 =	vadd.f32 v54, v1  }
0x106: {  	v58 =	vld [tilespmem:s9+$0x1300]  }
0x107: {  	v59 =	vmul.f32 v56, v25;
	v1 =	vadd.f32 v55, v1  }
0x108: {  	v60 =	vld [tilespmem:s10+$0x1300]  }
0x109: {  	v3 =	vmul.f32 v57, v28;
	v1 =	vadd.f32 v59, v1  }
0x10a: {  	s5 =	sand.u32 $0x80, s5  }
0x10b: {  	s5 =	sor.u32 s5, s6;
	v2 =	vmul.f32 v58, v31;
	v1 =	vadd.f32 v3, v1  }
0x10c: {  	v61 =	vld [tilespmem:s5+$0x1B00]  }
0x10d: {  	v0 =	vmul.f32 v60, v0;
	v1 =	vadd.f32 v2, v1  }
0x10e: {  	v62 =	vld [tilespmem:s5+$0x1C00]  }
0x10f: {  	v0 =	vadd.f32 v0, v1  }
0x110: {  	v63 =	vld [tilespmem:s5+$0x1D00]  }
0x111: {  	v0 =	vadd.f32 v0, v61;
	_ =	sdelay $0x1  }
0x112: {  	v0 =	vadd.f32 v0, v62;
	_ =	sdelay $0x1  }
0x113: {  	v0 =	vadd.f32 v0, v63;
	_ =	sdelay $0x1  }
0x114: {  	v0 =	vmul.f32 s7, v0  }
0x115: {  	s30 =	sshll.u32 s1, $0x2  }
0x116: {  	s31 =	simm.s32 $0x4600;
	s2 =	sadd.s32 s2, s30;
	[tilespmem:$0x4610] =	vst v0  }
0x117: {  	[hbm4b:s2+s3] =	stream.linear.scatter [tilespmem:s31], [sflag:$0x1], $0x20, $0x38;
	[tilespmem:$0x4680] =	vst v63  }
0x118: {  	_ =	swait.ge [sflag:s4], $0x20  }
0x119: {  	[sflag:s4] =	ssyncset.done $0x0  }
0x11a: {  	[sflag:s4] =	ssyncadd.s32 $0xFFFFFFE0  }
.LBB2_2:
0x11b: {  	_ =	sfence.sel $0x180000  }
0x11c: {  	[bflag:$0x0] =	sbarrier.arrive $0xFFFF  }
0x11d: {  	p0 =	sne.s32 s1, $0x0;
	_ =	strace $0x90000047  }
0x11e: {  	s0 =	sadd.s32 @!p0 $0x100000, s0;
	[bflag:$0x2] =	sbarrier.arrive $0xFFFF  }
0x11f: {  	[sflag:s0] =	ssyncadd.tile.s32 @!p0 $0x1;
	_ =	shalt  }
.Lfunc_end2:
_tile_overlayer_lowered:
.L_overlay_start_2:
0x120: {  	(tag) =	ssettag $0x2  }
0x121: {  	s0 =	rddreg [dreg:$0x0];
	s2 =	stileid.u32  }
0x122: {  	s1 =	rddreg [dreg:$0x1];
	p0 =	sne.s32 s2, $0x0  }
0x123: {  	s3 =	rddreg [dreg:$0x2];
	[bflag:$0x3] =	sbarrier.arrive $0xFFFF;
	s2 =	simm.s32 @!p0 $0x1C03  }
0x124: {  	[timem:s3], [sflag:s2] =	dma.local @!p0 [hbm:s0], s1  }
0x125: {  	s0 =	simm.s32 @!p0 $0x3  }
0x126: {  	_ =	swait.ge @!p0 [sflag:s0], s1  }
0x127: {  	s1 =	ssub.s32 @!p0 $0x0, s1;
	[sflag:s0] =	ssyncset.done @!p0 $0x0  }
0x128: {  	[sflag:s0] =	ssyncadd.s32 @!p0 s1  }
0x129: {  	[bflag:$0x3] =	sbarrier.arrive $0xFFFF  }
0x12a: {  	_ =	shalt  }

</sc_bundles>
